<compile_context>
chip_gen: v7x
topology: tpu7x:2x2x1
jax: 0.10.2.dev20260603
libtpu: 0.0.44.dev20260713+nightly
codegen_flags: <defaults>
</compile_context>

<pallas_src>
import functools

import jax
import jax.numpy as jnp
from jax import lax
from jax.experimental import pallas as pl
from jax.experimental.pallas import tpu as pltpu
from jax.experimental.pallas import tpu_sc as plsc

NUM_SEG = 512
CHUNK = 128
NC = 2
NS = 16
NW = NC * NS

TC_BLK = 2048
SC_ROWS = 77824


def _sc_partials(readout, batch, zeros, n_sc):
    _, d = readout.shape
    nfull = n_sc // CHUNK
    iters = (nfull + NW - 1) // NW
    rows_per_tile = NUM_SEG // NS

    mesh = plsc.VectorSubcoreMesh(core_axis_name="c", subcore_axis_name="s")

    nb = 3

    @functools.partial(
        pl.kernel,
        out_type=jax.ShapeDtypeStruct((NC, NUM_SEG, d), jnp.float32),
        mesh=mesh,
        scratch_types=[
            pltpu.VMEM((nb, CHUNK, d), jnp.float32),
            pltpu.VMEM((nb, CHUNK), jnp.int32),
            pltpu.VMEM_SHARED((NUM_SEG, d), jnp.float32),
            pltpu.SemaphoreType.DMA,
            pltpu.SemaphoreType.DMA,
            pltpu.SemaphoreType.DMA,
        ],
    )
    def k(readout_hbm, batch_hbm, zeros_hbm, out_hbm,
          rows_v, idx_v, acc_s, sem0, sem1, sem2):
        cid = lax.axis_index("c")
        sid = lax.axis_index("s")
        wid = cid * NS + sid
        sems = (sem0, sem1, sem2)

        def start(i, b):
            base = (i * NW + wid) * CHUNK
            pltpu.async_copy(batch_hbm.at[pl.ds(base, CHUNK)],
                             idx_v.at[b], sems[b])
            pltpu.async_copy(readout_hbm.at[pl.ds(base, CHUNK)],
                             rows_v.at[b], sems[b])

        def drain(i, b):
            base = (i * NW + wid) * CHUNK
            pltpu.make_async_copy(batch_hbm.at[pl.ds(base, CHUNK)],
                                  idx_v.at[b], sems[b]).wait()
            pltpu.make_async_copy(readout_hbm.at[pl.ds(base, CHUNK)],
                                  rows_v.at[b], sems[b]).wait()

        for b in range(nb):
            @pl.when(b * NW + wid < nfull)
            def _(b=b):
                start(b, b)

        pltpu.sync_copy(
            zeros_hbm.at[pl.ds(sid * rows_per_tile, rows_per_tile)],
            acc_s.at[pl.ds(sid * rows_per_tile, rows_per_tile)])
        plsc.subcore_barrier()

        def outer(j, carry):
            for b in range(nb):
                i = j * nb + b
                c = i * NW + wid

                @pl.when(c < nfull)
                def _(i=i, b=b):
                    drain(i, b)
                    pltpu.sync_copy(rows_v.at[b], acc_s.at[idx_v.at[b]],
                                    add=True)

                    @pl.when((i + nb) * NW + wid < nfull)
                    def _():
                        start(i + nb, b)

            return carry

        lax.fori_loop(0, (iters + nb - 1) // nb, outer, 0)

        plsc.subcore_barrier()

        pltpu.sync_copy(
            acc_s.at[pl.ds(sid * rows_per_tile, rows_per_tile)],
            out_hbm.at[cid, pl.ds(sid * rows_per_tile, rows_per_tile)])

    return k(readout, batch, zeros)


def _tc_partial(readout, batch, row0):
    n, d = readout.shape
    nblk = (n - row0 + TC_BLK - 1) // TC_BLK
    blk0 = row0 // TC_BLK
    W = 128

    def body(ids_smem, rows_ref, ids_ref, out_ref):
        i = pl.program_id(0)

        @pl.when(i == 0)
        def _():
            out_ref[...] = jnp.zeros_like(out_ref)

        gbase = row0 + i * TC_BLK
        lastvalid = jnp.minimum(TC_BLK - 1, n - 1 - gbase)
        w0 = (ids_smem[0, 0] // W) * W
        wl = ids_smem[0, lastvalid]
        nw = (wl - w0) // W + 1

        ids = ids_ref[0][None, :]
        validc = gbase + lax.broadcasted_iota(jnp.int32, (TC_BLK, 1), 0) < n
        rows = jnp.where(validc, rows_ref[...], 0.0)

        def win(j, carry):
            s = w0 + j * W
            segs = s + lax.broadcasted_iota(jnp.int32, (W, TC_BLK), 0)
            onehot = jnp.where(segs == ids, 1.0, 0.0)
            psum = lax.dot(onehot, rows, preferred_element_type=jnp.float32)
            out_ref[pl.ds(s, W), :] += psum
            return carry

        lax.fori_loop(0, nw, win, 0)

    return pl.pallas_call(
        body,
        grid=(nblk,),
        in_specs=[
            pl.BlockSpec((1, TC_BLK), lambda i: (0, blk0 + i),
                         memory_space=pltpu.SMEM),
            pl.BlockSpec((TC_BLK, d), lambda i: (blk0 + i, 0)),
            pl.BlockSpec((1, TC_BLK), lambda i: (0, blk0 + i)),
        ],
        out_specs=pl.BlockSpec((NUM_SEG, d), lambda i: (0, 0)),
        out_shape=jax.ShapeDtypeStruct((NUM_SEG, d), jnp.float32),
    )(batch.reshape(1, -1), readout, batch.reshape(1, -1))


def _combine(sc, tc):
    def body(p_ref, t_ref, o_ref):
        o_ref[...] = p_ref[0] + p_ref[1] + t_ref[...]

    return pl.pallas_call(
        body,
        out_shape=jax.ShapeDtypeStruct(tc.shape, tc.dtype),
    )(sc, tc)


def kernel(readout, batch):
    n, d = readout.shape
    n_sc = min(SC_ROWS, (n // CHUNK) * CHUNK)
    zeros = jnp.zeros((NUM_SEG, d), jnp.float32)
    batch = batch.astype(jnp.int32)
    sc = _sc_partials(readout, batch, zeros, n_sc)
    tc = _tc_partial(readout, batch, n_sc)
    return _combine(sc, tc)

# --- scband reference (transcript-rebuilt; emitter-appended) ---
"""Pipeline reference for scband-global-add-pooling-8555574853716 (READ-ONLY COPY).

The authoritative reference and input builder live on the scoring server;
editing this copy changes nothing except your own understanding.
"""

import jax, jax.numpy as jnp
import numpy as np

NUM_SEGMENTS = 512

def setup_inputs(seed: int = 0) -> dict:
    key = jax.random.key(seed)
    k1, k2 = jax.random.split(key)
    readout = jax.random.normal(k1, (100000, 128), dtype=jnp.float32)
    batch = jnp.sort(jax.random.randint(k2, (100000,), 0, NUM_SEGMENTS, dtype=jnp.int32))
    return {"readout": readout, "batch": batch}

def reference(readout, batch):
    # global_add_pool: sum node features per graph id
    return jax.ops.segment_sum(readout, batch, num_segments=NUM_SEGMENTS)

if __name__ == "__main__":
    import jax
    _d = setup_inputs()
    print(jax.jit(kernel)(*tuple(_d.values())))

</pallas_src>

<mosaic_0001>
#map = affine_map<(d0, d1) -> (0, 0)>
#map1 = affine_map<(d0, d1) -> (0)>
#map2 = affine_map<(d0, d1) -> (0, 0, 0)>
module attributes {stable_mosaic.version = 14 : i64} {
  func.func @k(%arg0: i32, %arg1: i32, %arg2: memref<100000x128xf32, #tpu.memory_space<hbm>>, %arg3: memref<100000xi32, #tpu.memory_space<hbm>>, %arg4: memref<512x128xf32, #tpu.memory_space<hbm>>, %arg5: memref<2x512x128xf32, #tpu.memory_space<hbm>>, %arg6: memref<3x128x128xf32, #tpu.memory_space<vmem>>, %arg7: memref<3x128xi32, #tpu.memory_space<vmem>>, %arg8: memref<512x128xf32, #tpu.memory_space<vmem_shared>>, %arg9: memref<!tpu.dma_semaphore, #tpu.memory_space<semaphore_mem>>, %arg10: memref<!tpu.dma_semaphore, #tpu.memory_space<semaphore_mem>>, %arg11: memref<!tpu.dma_semaphore, #tpu.memory_space<semaphore_mem>>) attributes {dimension_semantics = [#tpu.dimension_semantics<core_parallel>, #tpu.dimension_semantics<subcore_parallel>], iteration_bounds = array<i64: 2, 16>, scalar_prefetch = 0 : i64, scratch_operands = 6 : i64, tpu.core_type = #tpu.core_type<sc_vector_subcore>, window_params = [{transform_indices = #map}, {transform_indices = #map1}, {transform_indices = #map}, {transform_indices = #map2}]} {
    %mul3A = arith.constant 16 : i32
    %mul3A_0 = arith.muli %arg0, %mul3A : i32
    %add3A = arith.addi %mul3A_0, %arg1 : i32
    %add3A_1 = arith.constant 0 : i32
    %add3A_2 = arith.addi %add3A_1, %add3A : i32
    %lt3A = arith.constant 608 : i32
    %lt3A_3 = arith.cmpi slt, %add3A_2, %lt3A : i32
    %convert_element_type3A = arith.extui %lt3A_3 : i1 to i32
    %cond3A = arith.constant 0 : i32
    %cond3A_4 = arith.cmpi ne, %convert_element_type3A, %cond3A : i32
    scf.if %cond3A_4 {
      %add3A_33 = arith.constant 0 : i32
      %add3A_34 = arith.addi %add3A_33, %add3A : i32
      %mul3A_35 = arith.constant 128 : i32
      %mul3A_36 = arith.muli %add3A_34, %mul3A_35 : i32
      %dma_start3A = arith.constant 0 : i32
      %dma_start3A_37 = arith.constant 0 : i32
      %dma_start3A_38 = tpu.memref_slice %arg7[%dma_start3A, %dma_start3A_37] : memref<3x128xi32, #tpu.memory_space<vmem>> -> memref<1x128xi32, #tpu.memory_space<vmem>>
      %dma_start3A_39 = tpu.memref_squeeze %dma_start3A_38 : memref<1x128xi32, #tpu.memory_space<vmem>> -> memref<128xi32, #tpu.memory_space<vmem>>
      %dma_start3A_40 = tpu.memref_slice %arg3[%mul3A_36] : memref<100000xi32, #tpu.memory_space<hbm>> -> memref<128xi32, #tpu.memory_space<hbm>>
      %dma_start3A_41 = arith.constant 0 : i32
      %dma_start3A_42 = tpu.memref_slice %arg7[%dma_start3A, %dma_start3A_41] : memref<3x128xi32, #tpu.memory_space<vmem>> -> memref<1x128xi32, #tpu.memory_space<vmem>>
      %dma_start3A_43 = tpu.memref_squeeze %dma_start3A_42 : memref<1x128xi32, #tpu.memory_space<vmem>> -> memref<128xi32, #tpu.memory_space<vmem>>
      %dma_start3A_44 = tpu.memref_slice %arg3[%mul3A_36] : memref<100000xi32, #tpu.memory_space<hbm>> -> memref<128xi32, #tpu.memory_space<hbm>>
      tpu.enqueue_dma source(%dma_start3A_44 : memref<128xi32, #tpu.memory_space<hbm>>) target(%dma_start3A_43 : memref<128xi32, #tpu.memory_space<vmem>>) target_semaphore(%arg9 : memref<!tpu.dma_semaphore, #tpu.memory_space<semaphore_mem>>)
      %dma_start3A_45 = arith.constant 0 : i32
      %dma_start3A_46 = arith.constant 0 : i32
      %dma_start3A_47 = arith.constant 0 : i32
      %dma_start3A_48 = tpu.memref_slice %arg6[%dma_start3A_45, %dma_start3A_46, %dma_start3A_47] : memref<3x128x128xf32, #tpu.memory_space<vmem>> -> memref<1x128x128xf32, #tpu.memory_space<vmem>>
      %dma_start3A_49 = tpu.memref_squeeze %dma_start3A_48 : memref<1x128x128xf32, #tpu.memory_space<vmem>> -> memref<128x128xf32, #tpu.memory_space<vmem>>
      %dma_start3A_50 = arith.constant 0 : i32
      %dma_start3A_51 = tpu.memref_slice %arg2[%mul3A_36, %dma_start3A_50] : memref<100000x128xf32, #tpu.memory_space<hbm>> -> memref<128x128xf32, #tpu.memory_space<hbm>>
      %dma_start3A_52 = arith.constant 0 : i32
      %dma_start3A_53 = arith.constant 0 : i32
      %dma_start3A_54 = tpu.memref_slice %arg6[%dma_start3A_45, %dma_start3A_52, %dma_start3A_53] : memref<3x128x128xf32, #tpu.memory_space<vmem>> -> memref<1x128x128xf32, #tpu.memory_space<vmem>>
      %dma_start3A_55 = tpu.memref_squeeze %dma_start3A_54 : memref<1x128x128xf32, #tpu.memory_space<vmem>> -> memref<128x128xf32, #tpu.memory_space<vmem>>
      %dma_start3A_56 = arith.constant 0 : i32
      %dma_start3A_57 = tpu.memref_slice %arg2[%mul3A_36, %dma_start3A_56] : memref<100000x128xf32, #tpu.memory_space<hbm>> -> memref<128x128xf32, #tpu.memory_space<hbm>>
      tpu.enqueue_dma source(%dma_start3A_57 : memref<128x128xf32, #tpu.memory_space<hbm>>) target(%dma_start3A_55 : memref<128x128xf32, #tpu.memory_space<vmem>>) target_semaphore(%arg9 : memref<!tpu.dma_semaphore, #tpu.memory_space<semaphore_mem>>)
    } else {
    }
    %add3A_5 = arith.constant 32 : i32
    %add3A_6 = arith.addi %add3A_5, %add3A : i32
    %lt3A_7 = arith.constant 608 : i32
    %lt3A_8 = arith.cmpi slt, %add3A_6, %lt3A_7 : i32
    %convert_element_type3A_9 = arith.extui %lt3A_8 : i1 to i32
    %cond3A_10 = arith.constant 0 : i32
    %cond3A_11 = arith.cmpi ne, %convert_element_type3A_9, %cond3A_10 : i32
    scf.if %cond3A_11 {
      %add3A_33 = arith.constant 32 : i32
      %add3A_34 = arith.addi %add3A_33, %add3A : i32
      %mul3A_35 = arith.constant 128 : i32
      %mul3A_36 = arith.muli %add3A_34, %mul3A_35 : i32
      %dma_start3A = arith.constant 1 : i32
      %dma_start3A_37 = arith.constant 0 : i32
      %dma_start3A_38 = tpu.memref_slice %arg7[%dma_start3A, %dma_start3A_37] : memref<3x128xi32, #tpu.memory_space<vmem>> -> memref<1x128xi32, #tpu.memory_space<vmem>>
      %dma_start3A_39 = tpu.memref_squeeze %dma_start3A_38 : memref<1x128xi32, #tpu.memory_space<vmem>> -> memref<128xi32, #tpu.memory_space<vmem>>
      %dma_start3A_40 = tpu.memref_slice %arg3[%mul3A_36] : memref<100000xi32, #tpu.memory_space<hbm>> -> memref<128xi32, #tpu.memory_space<hbm>>
      %dma_start3A_41 = arith.constant 0 : i32
      %dma_start3A_42 = tpu.memref_slice %arg7[%dma_start3A, %dma_start3A_41] : memref<3x128xi32, #tpu.memory_space<vmem>> -> memref<1x128xi32, #tpu.memory_space<vmem>>
      %dma_start3A_43 = tpu.memref_squeeze %dma_start3A_42 : memref<1x128xi32, #tpu.memory_space<vmem>> -> memref<128xi32, #tpu.memory_space<vmem>>
      %dma_start3A_44 = tpu.memref_slice %arg3[%mul3A_36] : memref<100000xi32, #tpu.memory_space<hbm>> -> memref<128xi32, #tpu.memory_space<hbm>>
      tpu.enqueue_dma source(%dma_start3A_44 : memref<128xi32, #tpu.memory_space<hbm>>) target(%dma_start3A_43 : memref<128xi32, #tpu.memory_space<vmem>>) target_semaphore(%arg10 : memref<!tpu.dma_semaphore, #tpu.memory_space<semaphore_mem>>)
      %dma_start3A_45 = arith.constant 1 : i32
      %dma_start3A_46 = arith.constant 0 : i32
      %dma_start3A_47 = arith.constant 0 : i32
      %dma_start3A_48 = tpu.memref_slice %arg6[%dma_start3A_45, %dma_start3A_46, %dma_start3A_47] : memref<3x128x128xf32, #tpu.memory_space<vmem>> -> memref<1x128x128xf32, #tpu.memory_space<vmem>>
      %dma_start3A_49 = tpu.memref_squeeze %dma_start3A_48 : memref<1x128x128xf32, #tpu.memory_space<vmem>> -> memref<128x128xf32, #tpu.memory_space<vmem>>
      %dma_start3A_50 = arith.constant 0 : i32
      %dma_start3A_51 = tpu.memref_slice %arg2[%mul3A_36, %dma_start3A_50] : memref<100000x128xf32, #tpu.memory_space<hbm>> -> memref<128x128xf32, #tpu.memory_space<hbm>>
      %dma_start3A_52 = arith.constant 0 : i32
      %dma_start3A_53 = arith.constant 0 : i32
      %dma_start3A_54 = tpu.memref_slice %arg6[%dma_start3A_45, %dma_start3A_52, %dma_start3A_53] : memref<3x128x128xf32, #tpu.memory_space<vmem>> -> memref<1x128x128xf32, #tpu.memory_space<vmem>>
      %dma_start3A_55 = tpu.memref_squeeze %dma_start3A_54 : memref<1x128x128xf32, #tpu.memory_space<vmem>> -> memref<128x128xf32, #tpu.memory_space<vmem>>
      %dma_start3A_56 = arith.constant 0 : i32
      %dma_start3A_57 = tpu.memref_slice %arg2[%mul3A_36, %dma_start3A_56] : memref<100000x128xf32, #tpu.memory_space<hbm>> -> memref<128x128xf32, #tpu.memory_space<hbm>>
      tpu.enqueue_dma source(%dma_start3A_57 : memref<128x128xf32, #tpu.memory_space<hbm>>) target(%dma_start3A_55 : memref<128x128xf32, #tpu.memory_space<vmem>>) target_semaphore(%arg10 : memref<!tpu.dma_semaphore, #tpu.memory_space<semaphore_mem>>)
    } else {
    }
    %add3A_12 = arith.constant 64 : i32
    %add3A_13 = arith.addi %add3A_12, %add3A : i32
    %lt3A_14 = arith.constant 608 : i32
    %lt3A_15 = arith.cmpi slt, %add3A_13, %lt3A_14 : i32
    %convert_element_type3A_16 = arith.extui %lt3A_15 : i1 to i32
    %cond3A_17 = arith.constant 0 : i32
    %cond3A_18 = arith.cmpi ne, %convert_element_type3A_16, %cond3A_17 : i32
    scf.if %cond3A_18 {
      %add3A_33 = arith.constant 64 : i32
      %add3A_34 = arith.addi %add3A_33, %add3A : i32
      %mul3A_35 = arith.constant 128 : i32
      %mul3A_36 = arith.muli %add3A_34, %mul3A_35 : i32
      %dma_start3A = arith.constant 2 : i32
      %dma_start3A_37 = arith.constant 0 : i32
      %dma_start3A_38 = tpu.memref_slice %arg7[%dma_start3A, %dma_start3A_37] : memref<3x128xi32, #tpu.memory_space<vmem>> -> memref<1x128xi32, #tpu.memory_space<vmem>>
      %dma_start3A_39 = tpu.memref_squeeze %dma_start3A_38 : memref<1x128xi32, #tpu.memory_space<vmem>> -> memref<128xi32, #tpu.memory_space<vmem>>
      %dma_start3A_40 = tpu.memref_slice %arg3[%mul3A_36] : memref<100000xi32, #tpu.memory_space<hbm>> -> memref<128xi32, #tpu.memory_space<hbm>>
      %dma_start3A_41 = arith.constant 0 : i32
      %dma_start3A_42 = tpu.memref_slice %arg7[%dma_start3A, %dma_start3A_41] : memref<3x128xi32, #tpu.memory_space<vmem>> -> memref<1x128xi32, #tpu.memory_space<vmem>>
      %dma_start3A_43 = tpu.memref_squeeze %dma_start3A_42 : memref<1x128xi32, #tpu.memory_space<vmem>> -> memref<128xi32, #tpu.memory_space<vmem>>
      %dma_start3A_44 = tpu.memref_slice %arg3[%mul3A_36] : memref<100000xi32, #tpu.memory_space<hbm>> -> memref<128xi32, #tpu.memory_space<hbm>>
      tpu.enqueue_dma source(%dma_start3A_44 : memref<128xi32, #tpu.memory_space<hbm>>) target(%dma_start3A_43 : memref<128xi32, #tpu.memory_space<vmem>>) target_semaphore(%arg11 : memref<!tpu.dma_semaphore, #tpu.memory_space<semaphore_mem>>)
      %dma_start3A_45 = arith.constant 2 : i32
      %dma_start3A_46 = arith.constant 0 : i32
      %dma_start3A_47 = arith.constant 0 : i32
      %dma_start3A_48 = tpu.memref_slice %arg6[%dma_start3A_45, %dma_start3A_46, %dma_start3A_47] : memref<3x128x128xf32, #tpu.memory_space<vmem>> -> memref<1x128x128xf32, #tpu.memory_space<vmem>>
      %dma_start3A_49 = tpu.memref_squeeze %dma_start3A_48 : memref<1x128x128xf32, #tpu.memory_space<vmem>> -> memref<128x128xf32, #tpu.memory_space<vmem>>
      %dma_start3A_50 = arith.constant 0 : i32
      %dma_start3A_51 = tpu.memref_slice %arg2[%mul3A_36, %dma_start3A_50] : memref<100000x128xf32, #tpu.memory_space<hbm>> -> memref<128x128xf32, #tpu.memory_space<hbm>>
      %dma_start3A_52 = arith.constant 0 : i32
      %dma_start3A_53 = arith.constant 0 : i32
      %dma_start3A_54 = tpu.memref_slice %arg6[%dma_start3A_45, %dma_start3A_52, %dma_start3A_53] : memref<3x128x128xf32, #tpu.memory_space<vmem>> -> memref<1x128x128xf32, #tpu.memory_space<vmem>>
      %dma_start3A_55 = tpu.memref_squeeze %dma_start3A_54 : memref<1x128x128xf32, #tpu.memory_space<vmem>> -> memref<128x128xf32, #tpu.memory_space<vmem>>
      %dma_start3A_56 = arith.constant 0 : i32
      %dma_start3A_57 = tpu.memref_slice %arg2[%mul3A_36, %dma_start3A_56] : memref<100000x128xf32, #tpu.memory_space<hbm>> -> memref<128x128xf32, #tpu.memory_space<hbm>>
      tpu.enqueue_dma source(%dma_start3A_57 : memref<128x128xf32, #tpu.memory_space<hbm>>) target(%dma_start3A_55 : memref<128x128xf32, #tpu.memory_space<vmem>>) target_semaphore(%arg11 : memref<!tpu.dma_semaphore, #tpu.memory_space<semaphore_mem>>)
    } else {
    }
    %mul3A_19 = arith.constant 32 : i32
    %mul3A_20 = arith.muli %arg1, %mul3A_19 : i32
    %mul3A_21 = arith.constant 32 : i32
    %mul3A_22 = arith.muli %arg1, %mul3A_21 : i32
    "tpu.region"() ({
      %run_scoped3A = tpu.sem_alloc : memref<!tpu.dma_semaphore, #tpu.memory_space<semaphore_mem>>
      %dma_start3A = arith.constant 0 : i32
      %dma_start3A_33 = tpu.memref_slice %arg8[%mul3A_22, %dma_start3A] : memref<512x128xf32, #tpu.memory_space<vmem_shared>> -> memref<32x128xf32, #tpu.memory_space<vmem_shared>>
      %dma_start3A_34 = arith.constant 0 : i32
      %dma_start3A_35 = tpu.memref_slice %arg4[%mul3A_20, %dma_start3A_34] : memref<512x128xf32, #tpu.memory_space<hbm>> -> memref<32x128xf32, #tpu.memory_space<hbm>>
      tpu.enqueue_dma source(%dma_start3A_35 : memref<32x128xf32, #tpu.memory_space<hbm>>) target(%dma_start3A_33 : memref<32x128xf32, #tpu.memory_space<vmem_shared>>) target_semaphore(%run_scoped3A : memref<!tpu.dma_semaphore, #tpu.memory_space<semaphore_mem>>)
      %dma_wait3A = arith.constant 0 : i32
      %dma_wait3A_36 = tpu.memref_slice %arg8[%mul3A_22, %dma_wait3A] : memref<512x128xf32, #tpu.memory_space<vmem_shared>> -> memref<32x128xf32, #tpu.memory_space<vmem_shared>>
      %dma_wait3A_37 = arith.constant 0 : i32
      %dma_wait3A_38 = tpu.memref_slice %arg4[%mul3A_20, %dma_wait3A_37] : memref<512x128xf32, #tpu.memory_space<hbm>> -> memref<32x128xf32, #tpu.memory_space<hbm>>
      tpu.wait_dma2 semaphore(%run_scoped3A : memref<!tpu.dma_semaphore, #tpu.memory_space<semaphore_mem>>) src(%dma_wait3A_38 : memref<32x128xf32, #tpu.memory_space<hbm>>) dst(%dma_wait3A_36 : memref<32x128xf32, #tpu.memory_space<vmem_shared>>)
      tpu.yield
    }) : () -> ()
    %barrier3A = arith.constant 0 : index
    tpu.barrier barrier_id(%barrier3A)
    %scan3A = arith.constant 0 : i32
    %scan3A_23 = arith.constant 0 : i32
    %scan3A_24 = arith.constant 7 : i32
    %scan3A_25 = arith.addi %scan3A_23, %scan3A_24 : i32
    %scan3A_26 = arith.constant 1 : i32
    scf.for %scan3A_33 = %scan3A_23 to %scan3A_25 step %scan3A_26  : i32 {
      %mul3A_34 = arith.constant 3 : i32
      %mul3A_35 = arith.muli %scan3A_33, %mul3A_34 : i32
      %add3A_36 = arith.constant 0 : i32
      %add3A_37 = arith.addi %mul3A_35, %add3A_36 : i32
      %mul3A_38 = arith.constant 32 : i32
      %mul3A_39 = arith.muli %add3A_37, %mul3A_38 : i32
      %add3A_40 = arith.addi %mul3A_39, %add3A : i32
      %lt3A_41 = arith.constant 608 : i32
      %lt3A_42 = arith.cmpi slt, %add3A_40, %lt3A_41 : i32
      %convert_element_type3A_43 = arith.extui %lt3A_42 : i1 to i32
      %cond3A_44 = arith.constant 0 : i32
      %cond3A_45 = arith.cmpi ne, %convert_element_type3A_43, %cond3A_44 : i32
      scf.if %cond3A_45 {
        %mul3A_70 = arith.constant 32 : i32
        %mul3A_71 = arith.muli %add3A_37, %mul3A_70 : i32
        %add3A_72 = arith.addi %mul3A_71, %add3A : i32
        %mul3A_73 = arith.constant 128 : i32
        %mul3A_74 = arith.muli %add3A_72, %mul3A_73 : i32
        %dma_wait3A = arith.constant 0 : i32
        %dma_wait3A_75 = arith.constant 0 : i32
        %dma_wait3A_76 = tpu.memref_slice %arg7[%dma_wait3A, %dma_wait3A_75] : memref<3x128xi32, #tpu.memory_space<vmem>> -> memref<1x128xi32, #tpu.memory_space<vmem>>
        %dma_wait3A_77 = tpu.memref_squeeze %dma_wait3A_76 : memref<1x128xi32, #tpu.memory_space<vmem>> -> memref<128xi32, #tpu.memory_space<vmem>>
        %dma_wait3A_78 = tpu.memref_slice %arg3[%mul3A_74] : memref<100000xi32, #tpu.memory_space<hbm>> -> memref<128xi32, #tpu.memory_space<hbm>>
        %dma_wait3A_79 = arith.constant 0 : i32
        %dma_wait3A_80 = tpu.memref_slice %arg7[%dma_wait3A, %dma_wait3A_79] : memref<3x128xi32, #tpu.memory_space<vmem>> -> memref<1x128xi32, #tpu.memory_space<vmem>>
        %dma_wait3A_81 = tpu.memref_squeeze %dma_wait3A_80 : memref<1x128xi32, #tpu.memory_space<vmem>> -> memref<128xi32, #tpu.memory_space<vmem>>
        %dma_wait3A_82 = tpu.memref_slice %arg3[%mul3A_74] : memref<100000xi32, #tpu.memory_space<hbm>> -> memref<128xi32, #tpu.memory_space<hbm>>
        tpu.wait_dma2 semaphore(%arg9 : memref<!tpu.dma_semaphore, #tpu.memory_space<semaphore_mem>>) src(%dma_wait3A_82 : memref<128xi32, #tpu.memory_space<hbm>>) dst(%dma_wait3A_81 : memref<128xi32, #tpu.memory_space<vmem>>)
        %dma_wait3A_83 = arith.constant 0 : i32
        %dma_wait3A_84 = arith.constant 0 : i32
        %dma_wait3A_85 = arith.constant 0 : i32
        %dma_wait3A_86 = tpu.memref_slice %arg6[%dma_wait3A_83, %dma_wait3A_84, %dma_wait3A_85] : memref<3x128x128xf32, #tpu.memory_space<vmem>> -> memref<1x128x128xf32, #tpu.memory_space<vmem>>
        %dma_wait3A_87 = tpu.memref_squeeze %dma_wait3A_86 : memref<1x128x128xf32, #tpu.memory_space<vmem>> -> memref<128x128xf32, #tpu.memory_space<vmem>>
        %dma_wait3A_88 = arith.constant 0 : i32
        %dma_wait3A_89 = tpu.memref_slice %arg2[%mul3A_74, %dma_wait3A_88] : memref<100000x128xf32, #tpu.memory_space<hbm>> -> memref<128x128xf32, #tpu.memory_space<hbm>>
        %dma_wait3A_90 = arith.constant 0 : i32
        %dma_wait3A_91 = arith.constant 0 : i32
        %dma_wait3A_92 = tpu.memref_slice %arg6[%dma_wait3A_83, %dma_wait3A_90, %dma_wait3A_91] : memref<3x128x128xf32, #tpu.memory_space<vmem>> -> memref<1x128x128xf32, #tpu.memory_space<vmem>>
        %dma_wait3A_93 = tpu.memref_squeeze %dma_wait3A_92 : memref<1x128x128xf32, #tpu.memory_space<vmem>> -> memref<128x128xf32, #tpu.memory_space<vmem>>
        %dma_wait3A_94 = arith.constant 0 : i32
        %dma_wait3A_95 = tpu.memref_slice %arg2[%mul3A_74, %dma_wait3A_94] : memref<100000x128xf32, #tpu.memory_space<hbm>> -> memref<128x128xf32, #tpu.memory_space<hbm>>
        tpu.wait_dma2 semaphore(%arg9 : memref<!tpu.dma_semaphore, #tpu.memory_space<semaphore_mem>>) src(%dma_wait3A_95 : memref<128x128xf32, #tpu.memory_space<hbm>>) dst(%dma_wait3A_93 : memref<128x128xf32, #tpu.memory_space<vmem>>)
        %run_scoped3A = arith.constant 0 : i32
        %run_scoped3A_96 = arith.constant 0 : i32
        "tpu.region"() ({
          %run_scoped3A_107 = tpu.sem_alloc : memref<!tpu.dma_semaphore, #tpu.memory_space<semaphore_mem>>
          %dma_start3A = arith.constant 0 : i32
          %dma_start3A_108 = arith.constant 0 : i32
          %dma_start3A_109 = tpu.memref_slice %arg6[%run_scoped3A, %dma_start3A, %dma_start3A_108] : memref<3x128x128xf32, #tpu.memory_space<vmem>> -> memref<1x128x128xf32, #tpu.memory_space<vmem>>
          %dma_start3A_110 = tpu.memref_squeeze %dma_start3A_109 : memref<1x128x128xf32, #tpu.memory_space<vmem>> -> memref<128x128xf32, #tpu.memory_space<vmem>>
          %dma_start3A_111 = arith.constant 0 : i32
          %dma_start3A_112 = tpu.memref_slice %arg7[%run_scoped3A_96, %dma_start3A_111] : memref<3x128xi32, #tpu.memory_space<vmem>> -> memref<1x128xi32, #tpu.memory_space<vmem>>
          %dma_start3A_113 = tpu.memref_squeeze %dma_start3A_112 : memref<1x128xi32, #tpu.memory_space<vmem>> -> memref<128xi32, #tpu.memory_space<vmem>>
          %dma_start3A_114 = arith.constant 0 : i32
          %dma_start3A_115 = arith.constant 0 : i32
          %dma_start3A_116 = tpu.memref_slice %arg8[%dma_start3A_114, %dma_start3A_115] : memref<512x128xf32, #tpu.memory_space<vmem_shared>> -> memref<512x128xf32, #tpu.memory_space<vmem_shared>>
          tpu.enqueue_indirect_dma source(%dma_start3A_110 : memref<128x128xf32, #tpu.memory_space<vmem>>) target(%dma_start3A_116 : memref<512x128xf32, #tpu.memory_space<vmem_shared>>) offsets(%dma_start3A_113 : memref<128xi32, #tpu.memory_space<vmem>>) semaphore(%run_scoped3A_107 : memref<!tpu.dma_semaphore, #tpu.memory_space<semaphore_mem>>) {add = true}
          %dma_wait3A_117 = arith.constant 0 : i32
          %dma_wait3A_118 = arith.constant 0 : i32
          %dma_wait3A_119 = tpu.memref_slice %arg6[%run_scoped3A, %dma_wait3A_117, %dma_wait3A_118] : memref<3x128x128xf32, #tpu.memory_space<vmem>> -> memref<1x128x128xf32, #tpu.memory_space<vmem>>
          %dma_wait3A_120 = tpu.memref_squeeze %dma_wait3A_119 : memref<1x128x128xf32, #tpu.memory_space<vmem>> -> memref<128x128xf32, #tpu.memory_space<vmem>>
          %dma_wait3A_121 = arith.constant 0 : i32
          %dma_wait3A_122 = tpu.memref_slice %arg7[%run_scoped3A_96, %dma_wait3A_121] : memref<3x128xi32, #tpu.memory_space<vmem>> -> memref<1x128xi32, #tpu.memory_space<vmem>>
          %dma_wait3A_123 = tpu.memref_squeeze %dma_wait3A_122 : memref<1x128xi32, #tpu.memory_space<vmem>> -> memref<128xi32, #tpu.memory_space<vmem>>
          %dma_wait3A_124 = arith.constant 0 : i32
          %dma_wait3A_125 = arith.constant 0 : i32
          %dma_wait3A_126 = tpu.memref_slice %arg8[%dma_wait3A_124, %dma_wait3A_125] : memref<512x128xf32, #tpu.memory_space<vmem_shared>> -> memref<512x128xf32, #tpu.memory_space<vmem_shared>>
          tpu.wait_indirect_dma semaphore(%run_scoped3A_107 : memref<!tpu.dma_semaphore, #tpu.memory_space<semaphore_mem>>) src(%dma_wait3A_120 : memref<128x128xf32, #tpu.memory_space<vmem>>) dst(%dma_wait3A_126 : memref<512x128xf32, #tpu.memory_space<vmem_shared>>)
          tpu.yield
        }) : () -> ()
        %add3A_97 = arith.constant 3 : i32
        %add3A_98 = arith.addi %add3A_37, %add3A_97 : i32
        %mul3A_99 = arith.constant 32 : i32
        %mul3A_100 = arith.muli %add3A_98, %mul3A_99 : i32
        %add3A_101 = arith.addi %mul3A_100, %add3A : i32
        %lt3A_102 = arith.constant 608 : i32
        %lt3A_103 = arith.cmpi slt, %add3A_101, %lt3A_102 : i32
        %convert_element_type3A_104 = arith.extui %lt3A_103 : i1 to i32
        %cond3A_105 = arith.constant 0 : i32
        %cond3A_106 = arith.cmpi ne, %convert_element_type3A_104, %cond3A_105 : i32
        scf.if %cond3A_106 {
          %add3A_107 = arith.constant 3 : i32
          %add3A_108 = arith.addi %add3A_37, %add3A_107 : i32
          %mul3A_109 = arith.constant 32 : i32
          %mul3A_110 = arith.muli %add3A_108, %mul3A_109 : i32
          %add3A_111 = arith.addi %mul3A_110, %add3A : i32
          %mul3A_112 = arith.constant 128 : i32
          %mul3A_113 = arith.muli %add3A_111, %mul3A_112 : i32
          %dma_start3A = arith.constant 0 : i32
          %dma_start3A_114 = arith.constant 0 : i32
          %dma_start3A_115 = tpu.memref_slice %arg7[%dma_start3A, %dma_start3A_114] : memref<3x128xi32, #tpu.memory_space<vmem>> -> memref<1x128xi32, #tpu.memory_space<vmem>>
          %dma_start3A_116 = tpu.memref_squeeze %dma_start3A_115 : memref<1x128xi32, #tpu.memory_space<vmem>> -> memref<128xi32, #tpu.memory_space<vmem>>
          %dma_start3A_117 = tpu.memref_slice %arg3[%mul3A_113] : memref<100000xi32, #tpu.memory_space<hbm>> -> memref<128xi32, #tpu.memory_space<hbm>>
          %dma_start3A_118 = arith.constant 0 : i32
          %dma_start3A_119 = tpu.memref_slice %arg7[%dma_start3A, %dma_start3A_118] : memref<3x128xi32, #tpu.memory_space<vmem>> -> memref<1x128xi32, #tpu.memory_space<vmem>>
          %dma_start3A_120 = tpu.memref_squeeze %dma_start3A_119 : memref<1x128xi32, #tpu.memory_space<vmem>> -> memref<128xi32, #tpu.memory_space<vmem>>
          %dma_start3A_121 = tpu.memref_slice %arg3[%mul3A_113] : memref<100000xi32, #tpu.memory_space<hbm>> -> memref<128xi32, #tpu.memory_space<hbm>>
          tpu.enqueue_dma source(%dma_start3A_121 : memref<128xi32, #tpu.memory_space<hbm>>) target(%dma_start3A_120 : memref<128xi32, #tpu.memory_space<vmem>>) target_semaphore(%arg9 : memref<!tpu.dma_semaphore, #tpu.memory_space<semaphore_mem>>)
          %dma_start3A_122 = arith.constant 0 : i32
          %dma_start3A_123 = arith.constant 0 : i32
          %dma_start3A_124 = arith.constant 0 : i32
          %dma_start3A_125 = tpu.memref_slice %arg6[%dma_start3A_122, %dma_start3A_123, %dma_start3A_124] : memref<3x128x128xf32, #tpu.memory_space<vmem>> -> memref<1x128x128xf32, #tpu.memory_space<vmem>>
          %dma_start3A_126 = tpu.memref_squeeze %dma_start3A_125 : memref<1x128x128xf32, #tpu.memory_space<vmem>> -> memref<128x128xf32, #tpu.memory_space<vmem>>
          %dma_start3A_127 = arith.constant 0 : i32
          %dma_start3A_128 = tpu.memref_slice %arg2[%mul3A_113, %dma_start3A_127] : memref<100000x128xf32, #tpu.memory_space<hbm>> -> memref<128x128xf32, #tpu.memory_space<hbm>>
          %dma_start3A_129 = arith.constant 0 : i32
          %dma_start3A_130 = arith.constant 0 : i32
          %dma_start3A_131 = tpu.memref_slice %arg6[%dma_start3A_122, %dma_start3A_129, %dma_start3A_130] : memref<3x128x128xf32, #tpu.memory_space<vmem>> -> memref<1x128x128xf32, #tpu.memory_space<vmem>>
          %dma_start3A_132 = tpu.memref_squeeze %dma_start3A_131 : memref<1x128x128xf32, #tpu.memory_space<vmem>> -> memref<128x128xf32, #tpu.memory_space<vmem>>
          %dma_start3A_133 = arith.constant 0 : i32
          %dma_start3A_134 = tpu.memref_slice %arg2[%mul3A_113, %dma_start3A_133] : memref<100000x128xf32, #tpu.memory_space<hbm>> -> memref<128x128xf32, #tpu.memory_space<hbm>>
          tpu.enqueue_dma source(%dma_start3A_134 : memref<128x128xf32, #tpu.memory_space<hbm>>) target(%dma_start3A_132 : memref<128x128xf32, #tpu.memory_space<vmem>>) target_semaphore(%arg9 : memref<!tpu.dma_semaphore, #tpu.memory_space<semaphore_mem>>)
        } else {
        }
      } else {
      }
      %mul3A_46 = arith.constant 3 : i32
      %mul3A_47 = arith.muli %scan3A_33, %mul3A_46 : i32
      %add3A_48 = arith.constant 1 : i32
      %add3A_49 = arith.addi %mul3A_47, %add3A_48 : i32
      %mul3A_50 = arith.constant 32 : i32
      %mul3A_51 = arith.muli %add3A_49, %mul3A_50 : i32
      %add3A_52 = arith.addi %mul3A_51, %add3A : i32
      %lt3A_53 = arith.constant 608 : i32
      %lt3A_54 = arith.cmpi slt, %add3A_52, %lt3A_53 : i32
      %convert_element_type3A_55 = arith.extui %lt3A_54 : i1 to i32
      %cond3A_56 = arith.constant 0 : i32
      %cond3A_57 = arith.cmpi ne, %convert_element_type3A_55, %cond3A_56 : i32
      scf.if %cond3A_57 {
        %mul3A_70 = arith.constant 32 : i32
        %mul3A_71 = arith.muli %add3A_49, %mul3A_70 : i32
        %add3A_72 = arith.addi %mul3A_71, %add3A : i32
        %mul3A_73 = arith.constant 128 : i32
        %mul3A_74 = arith.muli %add3A_72, %mul3A_73 : i32
        %dma_wait3A = arith.constant 1 : i32
        %dma_wait3A_75 = arith.constant 0 : i32
        %dma_wait3A_76 = tpu.memref_slice %arg7[%dma_wait3A, %dma_wait3A_75] : memref<3x128xi32, #tpu.memory_space<vmem>> -> memref<1x128xi32, #tpu.memory_space<vmem>>
        %dma_wait3A_77 = tpu.memref_squeeze %dma_wait3A_76 : memref<1x128xi32, #tpu.memory_space<vmem>> -> memref<128xi32, #tpu.memory_space<vmem>>
        %dma_wait3A_78 = tpu.memref_slice %arg3[%mul3A_74] : memref<100000xi32, #tpu.memory_space<hbm>> -> memref<128xi32, #tpu.memory_space<hbm>>
        %dma_wait3A_79 = arith.constant 0 : i32
        %dma_wait3A_80 = tpu.memref_slice %arg7[%dma_wait3A, %dma_wait3A_79] : memref<3x128xi32, #tpu.memory_space<vmem>> -> memref<1x128xi32, #tpu.memory_space<vmem>>
        %dma_wait3A_81 = tpu.memref_squeeze %dma_wait3A_80 : memref<1x128xi32, #tpu.memory_space<vmem>> -> memref<128xi32, #tpu.memory_space<vmem>>
        %dma_wait3A_82 = tpu.memref_slice %arg3[%mul3A_74] : memref<100000xi32, #tpu.memory_space<hbm>> -> memref<128xi32, #tpu.memory_space<hbm>>
        tpu.wait_dma2 semaphore(%arg10 : memref<!tpu.dma_semaphore, #tpu.memory_space<semaphore_mem>>) src(%dma_wait3A_82 : memref<128xi32, #tpu.memory_space<hbm>>) dst(%dma_wait3A_81 : memref<128xi32, #tpu.memory_space<vmem>>)
        %dma_wait3A_83 = arith.constant 1 : i32
        %dma_wait3A_84 = arith.constant 0 : i32
        %dma_wait3A_85 = arith.constant 0 : i32
        %dma_wait3A_86 = tpu.memref_slice %arg6[%dma_wait3A_83, %dma_wait3A_84, %dma_wait3A_85] : memref<3x128x128xf32, #tpu.memory_space<vmem>> -> memref<1x128x128xf32, #tpu.memory_space<vmem>>
        %dma_wait3A_87 = tpu.memref_squeeze %dma_wait3A_86 : memref<1x128x128xf32, #tpu.memory_space<vmem>> -> memref<128x128xf32, #tpu.memory_space<vmem>>
        %dma_wait3A_88 = arith.constant 0 : i32
        %dma_wait3A_89 = tpu.memref_slice %arg2[%mul3A_74, %dma_wait3A_88] : memref<100000x128xf32, #tpu.memory_space<hbm>> -> memref<128x128xf32, #tpu.memory_space<hbm>>
        %dma_wait3A_90 = arith.constant 0 : i32
        %dma_wait3A_91 = arith.constant 0 : i32
        %dma_wait3A_92 = tpu.memref_slice %arg6[%dma_wait3A_83, %dma_wait3A_90, %dma_wait3A_91] : memref<3x128x128xf32, #tpu.memory_space<vmem>> -> memref<1x128x128xf32, #tpu.memory_space<vmem>>
        %dma_wait3A_93 = tpu.memref_squeeze %dma_wait3A_92 : memref<1x128x128xf32, #tpu.memory_space<vmem>> -> memref<128x128xf32, #tpu.memory_space<vmem>>
        %dma_wait3A_94 = arith.constant 0 : i32
        %dma_wait3A_95 = tpu.memref_slice %arg2[%mul3A_74, %dma_wait3A_94] : memref<100000x128xf32, #tpu.memory_space<hbm>> -> memref<128x128xf32, #tpu.memory_space<hbm>>
        tpu.wait_dma2 semaphore(%arg10 : memref<!tpu.dma_semaphore, #tpu.memory_space<semaphore_mem>>) src(%dma_wait3A_95 : memref<128x128xf32, #tpu.memory_space<hbm>>) dst(%dma_wait3A_93 : memref<128x128xf32, #tpu.memory_space<vmem>>)
        %run_scoped3A = arith.constant 1 : i32
        %run_scoped3A_96 = arith.constant 1 : i32
        "tpu.region"() ({
          %run_scoped3A_107 = tpu.sem_alloc : memref<!tpu.dma_semaphore, #tpu.memory_space<semaphore_mem>>
          %dma_start3A = arith.constant 0 : i32
          %dma_start3A_108 = arith.constant 0 : i32
          %dma_start3A_109 = tpu.memref_slice %arg6[%run_scoped3A, %dma_start3A, %dma_start3A_108] : memref<3x128x128xf32, #tpu.memory_space<vmem>> -> memref<1x128x128xf32, #tpu.memory_space<vmem>>
          %dma_start3A_110 = tpu.memref_squeeze %dma_start3A_109 : memref<1x128x128xf32, #tpu.memory_space<vmem>> -> memref<128x128xf32, #tpu.memory_space<vmem>>
          %dma_start3A_111 = arith.constant 0 : i32
          %dma_start3A_112 = tpu.memref_slice %arg7[%run_scoped3A_96, %dma_start3A_111] : memref<3x128xi32, #tpu.memory_space<vmem>> -> memref<1x128xi32, #tpu.memory_space<vmem>>
          %dma_start3A_113 = tpu.memref_squeeze %dma_start3A_112 : memref<1x128xi32, #tpu.memory_space<vmem>> -> memref<128xi32, #tpu.memory_space<vmem>>
          %dma_start3A_114 = arith.constant 0 : i32
          %dma_start3A_115 = arith.constant 0 : i32
          %dma_start3A_116 = tpu.memref_slice %arg8[%dma_start3A_114, %dma_start3A_115] : memref<512x128xf32, #tpu.memory_space<vmem_shared>> -> memref<512x128xf32, #tpu.memory_space<vmem_shared>>
          tpu.enqueue_indirect_dma source(%dma_start3A_110 : memref<128x128xf32, #tpu.memory_space<vmem>>) target(%dma_start3A_116 : memref<512x128xf32, #tpu.memory_space<vmem_shared>>) offsets(%dma_start3A_113 : memref<128xi32, #tpu.memory_space<vmem>>) semaphore(%run_scoped3A_107 : memref<!tpu.dma_semaphore, #tpu.memory_space<semaphore_mem>>) {add = true}
          %dma_wait3A_117 = arith.constant 0 : i32
          %dma_wait3A_118 = arith.constant 0 : i32
          %dma_wait3A_119 = tpu.memref_slice %arg6[%run_scoped3A, %dma_wait3A_117, %dma_wait3A_118] : memref<3x128x128xf32, #tpu.memory_space<vmem>> -> memref<1x128x128xf32, #tpu.memory_space<vmem>>
          %dma_wait3A_120 = tpu.memref_squeeze %dma_wait3A_119 : memref<1x128x128xf32, #tpu.memory_space<vmem>> -> memref<128x128xf32, #tpu.memory_space<vmem>>
          %dma_wait3A_121 = arith.constant 0 : i32
          %dma_wait3A_122 = tpu.memref_slice %arg7[%run_scoped3A_96, %dma_wait3A_121] : memref<3x128xi32, #tpu.memory_space<vmem>> -> memref<1x128xi32, #tpu.memory_space<vmem>>
          %dma_wait3A_123 = tpu.memref_squeeze %dma_wait3A_122 : memref<1x128xi32, #tpu.memory_space<vmem>> -> memref<128xi32, #tpu.memory_space<vmem>>
          %dma_wait3A_124 = arith.constant 0 : i32
          %dma_wait3A_125 = arith.constant 0 : i32
          %dma_wait3A_126 = tpu.memref_slice %arg8[%dma_wait3A_124, %dma_wait3A_125] : memref<512x128xf32, #tpu.memory_space<vmem_shared>> -> memref<512x128xf32, #tpu.memory_space<vmem_shared>>
          tpu.wait_indirect_dma semaphore(%run_scoped3A_107 : memref<!tpu.dma_semaphore, #tpu.memory_space<semaphore_mem>>) src(%dma_wait3A_120 : memref<128x128xf32, #tpu.memory_space<vmem>>) dst(%dma_wait3A_126 : memref<512x128xf32, #tpu.memory_space<vmem_shared>>)
          tpu.yield
        }) : () -> ()
        %add3A_97 = arith.constant 3 : i32
        %add3A_98 = arith.addi %add3A_49, %add3A_97 : i32
        %mul3A_99 = arith.constant 32 : i32
        %mul3A_100 = arith.muli %add3A_98, %mul3A_99 : i32
        %add3A_101 = arith.addi %mul3A_100, %add3A : i32
        %lt3A_102 = arith.constant 608 : i32
        %lt3A_103 = arith.cmpi slt, %add3A_101, %lt3A_102 : i32
        %convert_element_type3A_104 = arith.extui %lt3A_103 : i1 to i32
        %cond3A_105 = arith.constant 0 : i32
        %cond3A_106 = arith.cmpi ne, %convert_element_type3A_104, %cond3A_105 : i32
        scf.if %cond3A_106 {
          %add3A_107 = arith.constant 3 : i32
          %add3A_108 = arith.addi %add3A_49, %add3A_107 : i32
          %mul3A_109 = arith.constant 32 : i32
          %mul3A_110 = arith.muli %add3A_108, %mul3A_109 : i32
          %add3A_111 = arith.addi %mul3A_110, %add3A : i32
          %mul3A_112 = arith.constant 128 : i32
          %mul3A_113 = arith.muli %add3A_111, %mul3A_112 : i32
          %dma_start3A = arith.constant 1 : i32
          %dma_start3A_114 = arith.constant 0 : i32
          %dma_start3A_115 = tpu.memref_slice %arg7[%dma_start3A, %dma_start3A_114] : memref<3x128xi32, #tpu.memory_space<vmem>> -> memref<1x128xi32, #tpu.memory_space<vmem>>
          %dma_start3A_116 = tpu.memref_squeeze %dma_start3A_115 : memref<1x128xi32, #tpu.memory_space<vmem>> -> memref<128xi32, #tpu.memory_space<vmem>>
          %dma_start3A_117 = tpu.memref_slice %arg3[%mul3A_113] : memref<100000xi32, #tpu.memory_space<hbm>> -> memref<128xi32, #tpu.memory_space<hbm>>
          %dma_start3A_118 = arith.constant 0 : i32
          %dma_start3A_119 = tpu.memref_slice %arg7[%dma_start3A, %dma_start3A_118] : memref<3x128xi32, #tpu.memory_space<vmem>> -> memref<1x128xi32, #tpu.memory_space<vmem>>
          %dma_start3A_120 = tpu.memref_squeeze %dma_start3A_119 : memref<1x128xi32, #tpu.memory_space<vmem>> -> memref<128xi32, #tpu.memory_space<vmem>>
          %dma_start3A_121 = tpu.memref_slice %arg3[%mul3A_113] : memref<100000xi32, #tpu.memory_space<hbm>> -> memref<128xi32, #tpu.memory_space<hbm>>
          tpu.enqueue_dma source(%dma_start3A_121 : memref<128xi32, #tpu.memory_space<hbm>>) target(%dma_start3A_120 : memref<128xi32, #tpu.memory_space<vmem>>) target_semaphore(%arg10 : memref<!tpu.dma_semaphore, #tpu.memory_space<semaphore_mem>>)
          %dma_start3A_122 = arith.constant 1 : i32
          %dma_start3A_123 = arith.constant 0 : i32
          %dma_start3A_124 = arith.constant 0 : i32
          %dma_start3A_125 = tpu.memref_slice %arg6[%dma_start3A_122, %dma_start3A_123, %dma_start3A_124] : memref<3x128x128xf32, #tpu.memory_space<vmem>> -> memref<1x128x128xf32, #tpu.memory_space<vmem>>
          %dma_start3A_126 = tpu.memref_squeeze %dma_start3A_125 : memref<1x128x128xf32, #tpu.memory_space<vmem>> -> memref<128x128xf32, #tpu.memory_space<vmem>>
          %dma_start3A_127 = arith.constant 0 : i32
          %dma_start3A_128 = tpu.memref_slice %arg2[%mul3A_113, %dma_start3A_127] : memref<100000x128xf32, #tpu.memory_space<hbm>> -> memref<128x128xf32, #tpu.memory_space<hbm>>
          %dma_start3A_129 = arith.constant 0 : i32
          %dma_start3A_130 = arith.constant 0 : i32
          %dma_start3A_131 = tpu.memref_slice %arg6[%dma_start3A_122, %dma_start3A_129, %dma_start3A_130] : memref<3x128x128xf32, #tpu.memory_space<vmem>> -> memref<1x128x128xf32, #tpu.memory_space<vmem>>
          %dma_start3A_132 = tpu.memref_squeeze %dma_start3A_131 : memref<1x128x128xf32, #tpu.memory_space<vmem>> -> memref<128x128xf32, #tpu.memory_space<vmem>>
          %dma_start3A_133 = arith.constant 0 : i32
          %dma_start3A_134 = tpu.memref_slice %arg2[%mul3A_113, %dma_start3A_133] : memref<100000x128xf32, #tpu.memory_space<hbm>> -> memref<128x128xf32, #tpu.memory_space<hbm>>
          tpu.enqueue_dma source(%dma_start3A_134 : memref<128x128xf32, #tpu.memory_space<hbm>>) target(%dma_start3A_132 : memref<128x128xf32, #tpu.memory_space<vmem>>) target_semaphore(%arg10 : memref<!tpu.dma_semaphore, #tpu.memory_space<semaphore_mem>>)
        } else {
        }
      } else {
      }
      %mul3A_58 = arith.constant 3 : i32
      %mul3A_59 = arith.muli %scan3A_33, %mul3A_58 : i32
      %add3A_60 = arith.constant 2 : i32
      %add3A_61 = arith.addi %mul3A_59, %add3A_60 : i32
      %mul3A_62 = arith.constant 32 : i32
      %mul3A_63 = arith.muli %add3A_61, %mul3A_62 : i32
      %add3A_64 = arith.addi %mul3A_63, %add3A : i32
      %lt3A_65 = arith.constant 608 : i32
      %lt3A_66 = arith.cmpi slt, %add3A_64, %lt3A_65 : i32
      %convert_element_type3A_67 = arith.extui %lt3A_66 : i1 to i32
      %cond3A_68 = arith.constant 0 : i32
      %cond3A_69 = arith.cmpi ne, %convert_element_type3A_67, %cond3A_68 : i32
      scf.if %cond3A_69 {
        %mul3A_70 = arith.constant 32 : i32
        %mul3A_71 = arith.muli %add3A_61, %mul3A_70 : i32
        %add3A_72 = arith.addi %mul3A_71, %add3A : i32
        %mul3A_73 = arith.constant 128 : i32
        %mul3A_74 = arith.muli %add3A_72, %mul3A_73 : i32
        %dma_wait3A = arith.constant 2 : i32
        %dma_wait3A_75 = arith.constant 0 : i32
        %dma_wait3A_76 = tpu.memref_slice %arg7[%dma_wait3A, %dma_wait3A_75] : memref<3x128xi32, #tpu.memory_space<vmem>> -> memref<1x128xi32, #tpu.memory_space<vmem>>
        %dma_wait3A_77 = tpu.memref_squeeze %dma_wait3A_76 : memref<1x128xi32, #tpu.memory_space<vmem>> -> memref<128xi32, #tpu.memory_space<vmem>>
        %dma_wait3A_78 = tpu.memref_slice %arg3[%mul3A_74] : memref<100000xi32, #tpu.memory_space<hbm>> -> memref<128xi32, #tpu.memory_space<hbm>>
        %dma_wait3A_79 = arith.constant 0 : i32
        %dma_wait3A_80 = tpu.memref_slice %arg7[%dma_wait3A, %dma_wait3A_79] : memref<3x128xi32, #tpu.memory_space<vmem>> -> memref<1x128xi32, #tpu.memory_space<vmem>>
        %dma_wait3A_81 = tpu.memref_squeeze %dma_wait3A_80 : memref<1x128xi32, #tpu.memory_space<vmem>> -> memref<128xi32, #tpu.memory_space<vmem>>
        %dma_wait3A_82 = tpu.memref_slice %arg3[%mul3A_74] : memref<100000xi32, #tpu.memory_space<hbm>> -> memref<128xi32, #tpu.memory_space<hbm>>
        tpu.wait_dma2 semaphore(%arg11 : memref<!tpu.dma_semaphore, #tpu.memory_space<semaphore_mem>>) src(%dma_wait3A_82 : memref<128xi32, #tpu.memory_space<hbm>>) dst(%dma_wait3A_81 : memref<128xi32, #tpu.memory_space<vmem>>)
        %dma_wait3A_83 = arith.constant 2 : i32
        %dma_wait3A_84 = arith.constant 0 : i32
        %dma_wait3A_85 = arith.constant 0 : i32
        %dma_wait3A_86 = tpu.memref_slice %arg6[%dma_wait3A_83, %dma_wait3A_84, %dma_wait3A_85] : memref<3x128x128xf32, #tpu.memory_space<vmem>> -> memref<1x128x128xf32, #tpu.memory_space<vmem>>
        %dma_wait3A_87 = tpu.memref_squeeze %dma_wait3A_86 : memref<1x128x128xf32, #tpu.memory_space<vmem>> -> memref<128x128xf32, #tpu.memory_space<vmem>>
        %dma_wait3A_88 = arith.constant 0 : i32
        %dma_wait3A_89 = tpu.memref_slice %arg2[%mul3A_74, %dma_wait3A_88] : memref<100000x128xf32, #tpu.memory_space<hbm>> -> memref<128x128xf32, #tpu.memory_space<hbm>>
        %dma_wait3A_90 = arith.constant 0 : i32
        %dma_wait3A_91 = arith.constant 0 : i32
        %dma_wait3A_92 = tpu.memref_slice %arg6[%dma_wait3A_83, %dma_wait3A_90, %dma_wait3A_91] : memref<3x128x128xf32, #tpu.memory_space<vmem>> -> memref<1x128x128xf32, #tpu.memory_space<vmem>>
        %dma_wait3A_93 = tpu.memref_squeeze %dma_wait3A_92 : memref<1x128x128xf32, #tpu.memory_space<vmem>> -> memref<128x128xf32, #tpu.memory_space<vmem>>
        %dma_wait3A_94 = arith.constant 0 : i32
        %dma_wait3A_95 = tpu.memref_slice %arg2[%mul3A_74, %dma_wait3A_94] : memref<100000x128xf32, #tpu.memory_space<hbm>> -> memref<128x128xf32, #tpu.memory_space<hbm>>
        tpu.wait_dma2 semaphore(%arg11 : memref<!tpu.dma_semaphore, #tpu.memory_space<semaphore_mem>>) src(%dma_wait3A_95 : memref<128x128xf32, #tpu.memory_space<hbm>>) dst(%dma_wait3A_93 : memref<128x128xf32, #tpu.memory_space<vmem>>)
        %run_scoped3A = arith.constant 2 : i32
        %run_scoped3A_96 = arith.constant 2 : i32
        "tpu.region"() ({
          %run_scoped3A_107 = tpu.sem_alloc : memref<!tpu.dma_semaphore, #tpu.memory_space<semaphore_mem>>
          %dma_start3A = arith.constant 0 : i32
          %dma_start3A_108 = arith.constant 0 : i32
          %dma_start3A_109 = tpu.memref_slice %arg6[%run_scoped3A, %dma_start3A, %dma_start3A_108] : memref<3x128x128xf32, #tpu.memory_space<vmem>> -> memref<1x128x128xf32, #tpu.memory_space<vmem>>
          %dma_start3A_110 = tpu.memref_squeeze %dma_start3A_109 : memref<1x128x128xf32, #tpu.memory_space<vmem>> -> memref<128x128xf32, #tpu.memory_space<vmem>>
          %dma_start3A_111 = arith.constant 0 : i32
          %dma_start3A_112 = tpu.memref_slice %arg7[%run_scoped3A_96, %dma_start3A_111] : memref<3x128xi32, #tpu.memory_space<vmem>> -> memref<1x128xi32, #tpu.memory_space<vmem>>
          %dma_start3A_113 = tpu.memref_squeeze %dma_start3A_112 : memref<1x128xi32, #tpu.memory_space<vmem>> -> memref<128xi32, #tpu.memory_space<vmem>>
          %dma_start3A_114 = arith.constant 0 : i32
          %dma_start3A_115 = arith.constant 0 : i32
          %dma_start3A_116 = tpu.memref_slice %arg8[%dma_start3A_114, %dma_start3A_115] : memref<512x128xf32, #tpu.memory_space<vmem_shared>> -> memref<512x128xf32, #tpu.memory_space<vmem_shared>>
          tpu.enqueue_indirect_dma source(%dma_start3A_110 : memref<128x128xf32, #tpu.memory_space<vmem>>) target(%dma_start3A_116 : memref<512x128xf32, #tpu.memory_space<vmem_shared>>) offsets(%dma_start3A_113 : memref<128xi32, #tpu.memory_space<vmem>>) semaphore(%run_scoped3A_107 : memref<!tpu.dma_semaphore, #tpu.memory_space<semaphore_mem>>) {add = true}
          %dma_wait3A_117 = arith.constant 0 : i32
          %dma_wait3A_118 = arith.constant 0 : i32
          %dma_wait3A_119 = tpu.memref_slice %arg6[%run_scoped3A, %dma_wait3A_117, %dma_wait3A_118] : memref<3x128x128xf32, #tpu.memory_space<vmem>> -> memref<1x128x128xf32, #tpu.memory_space<vmem>>
          %dma_wait3A_120 = tpu.memref_squeeze %dma_wait3A_119 : memref<1x128x128xf32, #tpu.memory_space<vmem>> -> memref<128x128xf32, #tpu.memory_space<vmem>>
          %dma_wait3A_121 = arith.constant 0 : i32
          %dma_wait3A_122 = tpu.memref_slice %arg7[%run_scoped3A_96, %dma_wait3A_121] : memref<3x128xi32, #tpu.memory_space<vmem>> -> memref<1x128xi32, #tpu.memory_space<vmem>>
          %dma_wait3A_123 = tpu.memref_squeeze %dma_wait3A_122 : memref<1x128xi32, #tpu.memory_space<vmem>> -> memref<128xi32, #tpu.memory_space<vmem>>
          %dma_wait3A_124 = arith.constant 0 : i32
          %dma_wait3A_125 = arith.constant 0 : i32
          %dma_wait3A_126 = tpu.memref_slice %arg8[%dma_wait3A_124, %dma_wait3A_125] : memref<512x128xf32, #tpu.memory_space<vmem_shared>> -> memref<512x128xf32, #tpu.memory_space<vmem_shared>>
          tpu.wait_indirect_dma semaphore(%run_scoped3A_107 : memref<!tpu.dma_semaphore, #tpu.memory_space<semaphore_mem>>) src(%dma_wait3A_120 : memref<128x128xf32, #tpu.memory_space<vmem>>) dst(%dma_wait3A_126 : memref<512x128xf32, #tpu.memory_space<vmem_shared>>)
          tpu.yield
        }) : () -> ()
        %add3A_97 = arith.constant 3 : i32
        %add3A_98 = arith.addi %add3A_61, %add3A_97 : i32
        %mul3A_99 = arith.constant 32 : i32
        %mul3A_100 = arith.muli %add3A_98, %mul3A_99 : i32
        %add3A_101 = arith.addi %mul3A_100, %add3A : i32
        %lt3A_102 = arith.constant 608 : i32
        %lt3A_103 = arith.cmpi slt, %add3A_101, %lt3A_102 : i32
        %convert_element_type3A_104 = arith.extui %lt3A_103 : i1 to i32
        %cond3A_105 = arith.constant 0 : i32
        %cond3A_106 = arith.cmpi ne, %convert_element_type3A_104, %cond3A_105 : i32
        scf.if %cond3A_106 {
          %add3A_107 = arith.constant 3 : i32
          %add3A_108 = arith.addi %add3A_61, %add3A_107 : i32
          %mul3A_109 = arith.constant 32 : i32
          %mul3A_110 = arith.muli %add3A_108, %mul3A_109 : i32
          %add3A_111 = arith.addi %mul3A_110, %add3A : i32
          %mul3A_112 = arith.constant 128 : i32
          %mul3A_113 = arith.muli %add3A_111, %mul3A_112 : i32
          %dma_start3A = arith.constant 2 : i32
          %dma_start3A_114 = arith.constant 0 : i32
          %dma_start3A_115 = tpu.memref_slice %arg7[%dma_start3A, %dma_start3A_114] : memref<3x128xi32, #tpu.memory_space<vmem>> -> memref<1x128xi32, #tpu.memory_space<vmem>>
          %dma_start3A_116 = tpu.memref_squeeze %dma_start3A_115 : memref<1x128xi32, #tpu.memory_space<vmem>> -> memref<128xi32, #tpu.memory_space<vmem>>
          %dma_start3A_117 = tpu.memref_slice %arg3[%mul3A_113] : memref<100000xi32, #tpu.memory_space<hbm>> -> memref<128xi32, #tpu.memory_space<hbm>>
          %dma_start3A_118 = arith.constant 0 : i32
          %dma_start3A_119 = tpu.memref_slice %arg7[%dma_start3A, %dma_start3A_118] : memref<3x128xi32, #tpu.memory_space<vmem>> -> memref<1x128xi32, #tpu.memory_space<vmem>>
          %dma_start3A_120 = tpu.memref_squeeze %dma_start3A_119 : memref<1x128xi32, #tpu.memory_space<vmem>> -> memref<128xi32, #tpu.memory_space<vmem>>
          %dma_start3A_121 = tpu.memref_slice %arg3[%mul3A_113] : memref<100000xi32, #tpu.memory_space<hbm>> -> memref<128xi32, #tpu.memory_space<hbm>>
          tpu.enqueue_dma source(%dma_start3A_121 : memref<128xi32, #tpu.memory_space<hbm>>) target(%dma_start3A_120 : memref<128xi32, #tpu.memory_space<vmem>>) target_semaphore(%arg11 : memref<!tpu.dma_semaphore, #tpu.memory_space<semaphore_mem>>)
          %dma_start3A_122 = arith.constant 2 : i32
          %dma_start3A_123 = arith.constant 0 : i32
          %dma_start3A_124 = arith.constant 0 : i32
          %dma_start3A_125 = tpu.memref_slice %arg6[%dma_start3A_122, %dma_start3A_123, %dma_start3A_124] : memref<3x128x128xf32, #tpu.memory_space<vmem>> -> memref<1x128x128xf32, #tpu.memory_space<vmem>>
          %dma_start3A_126 = tpu.memref_squeeze %dma_start3A_125 : memref<1x128x128xf32, #tpu.memory_space<vmem>> -> memref<128x128xf32, #tpu.memory_space<vmem>>
          %dma_start3A_127 = arith.constant 0 : i32
          %dma_start3A_128 = tpu.memref_slice %arg2[%mul3A_113, %dma_start3A_127] : memref<100000x128xf32, #tpu.memory_space<hbm>> -> memref<128x128xf32, #tpu.memory_space<hbm>>
          %dma_start3A_129 = arith.constant 0 : i32
          %dma_start3A_130 = arith.constant 0 : i32
          %dma_start3A_131 = tpu.memref_slice %arg6[%dma_start3A_122, %dma_start3A_129, %dma_start3A_130] : memref<3x128x128xf32, #tpu.memory_space<vmem>> -> memref<1x128x128xf32, #tpu.memory_space<vmem>>
          %dma_start3A_132 = tpu.memref_squeeze %dma_start3A_131 : memref<1x128x128xf32, #tpu.memory_space<vmem>> -> memref<128x128xf32, #tpu.memory_space<vmem>>
          %dma_start3A_133 = arith.constant 0 : i32
          %dma_start3A_134 = tpu.memref_slice %arg2[%mul3A_113, %dma_start3A_133] : memref<100000x128xf32, #tpu.memory_space<hbm>> -> memref<128x128xf32, #tpu.memory_space<hbm>>
          tpu.enqueue_dma source(%dma_start3A_134 : memref<128x128xf32, #tpu.memory_space<hbm>>) target(%dma_start3A_132 : memref<128x128xf32, #tpu.memory_space<vmem>>) target_semaphore(%arg11 : memref<!tpu.dma_semaphore, #tpu.memory_space<semaphore_mem>>)
        } else {
        }
      } else {
      }
    }
    %scan3A_27 = arith.constant 7 : i32
    %barrier3A_28 = arith.constant 0 : index
    tpu.barrier barrier_id(%barrier3A_28)
    %mul3A_29 = arith.constant 32 : i32
    %mul3A_30 = arith.muli %arg1, %mul3A_29 : i32
    %mul3A_31 = arith.constant 32 : i32
    %mul3A_32 = arith.muli %arg1, %mul3A_31 : i32
    "tpu.region"() ({
      %run_scoped3A = tpu.sem_alloc : memref<!tpu.dma_semaphore, #tpu.memory_space<semaphore_mem>>
      %dma_start3A = arith.constant 0 : i32
      %dma_start3A_33 = tpu.memref_slice %arg5[%arg0, %mul3A_32, %dma_start3A] : memref<2x512x128xf32, #tpu.memory_space<hbm>> -> memref<1x32x128xf32, #tpu.memory_space<hbm>>
      %dma_start3A_34 = tpu.memref_squeeze %dma_start3A_33 : memref<1x32x128xf32, #tpu.memory_space<hbm>> -> memref<32x128xf32, #tpu.memory_space<hbm>>
      %dma_start3A_35 = arith.constant 0 : i32
      %dma_start3A_36 = tpu.memref_slice %arg8[%mul3A_30, %dma_start3A_35] : memref<512x128xf32, #tpu.memory_space<vmem_shared>> -> memref<32x128xf32, #tpu.memory_space<vmem_shared>>
      tpu.enqueue_dma source(%dma_start3A_36 : memref<32x128xf32, #tpu.memory_space<vmem_shared>>) target(%dma_start3A_34 : memref<32x128xf32, #tpu.memory_space<hbm>>) target_semaphore(%run_scoped3A : memref<!tpu.dma_semaphore, #tpu.memory_space<semaphore_mem>>)
      %dma_wait3A = arith.constant 0 : i32
      %dma_wait3A_37 = tpu.memref_slice %arg5[%arg0, %mul3A_32, %dma_wait3A] : memref<2x512x128xf32, #tpu.memory_space<hbm>> -> memref<1x32x128xf32, #tpu.memory_space<hbm>>
      %dma_wait3A_38 = tpu.memref_squeeze %dma_wait3A_37 : memref<1x32x128xf32, #tpu.memory_space<hbm>> -> memref<32x128xf32, #tpu.memory_space<hbm>>
      %dma_wait3A_39 = arith.constant 0 : i32
      %dma_wait3A_40 = tpu.memref_slice %arg8[%mul3A_30, %dma_wait3A_39] : memref<512x128xf32, #tpu.memory_space<vmem_shared>> -> memref<32x128xf32, #tpu.memory_space<vmem_shared>>
      tpu.wait_dma2 semaphore(%run_scoped3A : memref<!tpu.dma_semaphore, #tpu.memory_space<semaphore_mem>>) src(%dma_wait3A_40 : memref<32x128xf32, #tpu.memory_space<vmem_shared>>) dst(%dma_wait3A_38 : memref<32x128xf32, #tpu.memory_space<hbm>>)
      tpu.yield
    }) : () -> ()
    return
  }
}

module attributes {stable_mosaic.version = 14 : i64} {
  func.func @body(%arg0: i32, %arg1: memref<1x2048xi32, #tpu.memory_space<smem>>, %arg2: memref<2048x128xf32, #tpu.memory_space<vmem>>, %arg3: memref<1x2048xi32, #tpu.memory_space<vmem>>, %arg4: memref<512x128xf32, #tpu.memory_space<vmem>>) attributes {dimension_semantics = [#tpu.dimension_semantics<arbitrary>], iteration_bounds = array<i64: 11>, scalar_prefetch = 0 : i64, scratch_operands = 0 : i64, tpu.core_type = #tpu.core_type<tc>, window_params = [{transform_indices = @transform_0, window_bounds = array<i64: 1, 2048>}, {transform_indices = @transform_1, window_bounds = array<i64: 2048, 128>}, {transform_indices = @transform_2, window_bounds = array<i64: 1, 2048>}, {pipeline_mode = #tpu.pipeline_mode<synchronous>, transform_indices = @transform_3, window_bounds = array<i64: 512, 128>}]} {
    %eq3A = arith.constant 0 : i32
    %eq3A_0 = arith.cmpi eq, %arg0, %eq3A : i32
    %convert_element_type3A = arith.extui %eq3A_0 : i1 to i32
    %cond3A = arith.constant 0 : i32
    %cond3A_1 = arith.cmpi ne, %convert_element_type3A, %cond3A : i32
    scf.if %cond3A_1 {
      %broadcast_in_dim3A_82 = arith.constant 0.000000e+00 : f32
      %broadcast_in_dim3A_83 = vector.broadcast %broadcast_in_dim3A_82 : f32 to vector<512x128xf32>
      %swap3A = arith.constant 0 : index
      %swap3A_84 = arith.constant 0 : index
      %swap3A_85 = vector.load %arg4[%swap3A, %swap3A_84] : memref<512x128xf32, #tpu.memory_space<vmem>>, vector<512x128xf32>
      tpu.vector_store %arg4[%swap3A, %swap3A_84], %broadcast_in_dim3A_83 {strides = array<i32>} : memref<512x128xf32, #tpu.memory_space<vmem>>, vector<512x128xf32>,
    } else {
    }
    %mul3A = arith.constant 2048 : i32
    %mul3A_2 = arith.muli %arg0, %mul3A : i32
    %add3A = arith.constant 77824 : i32
    %add3A_3 = arith.addi %add3A, %mul3A_2 : i32
    %sub3A = arith.constant 99999 : i32
    %sub3A_4 = arith.subi %sub3A, %add3A_3 : i32
    %min3A = arith.constant 2047 : i32
    %min3A_5 = arith.minsi %min3A, %sub3A_4 : i32
    %get3A = arith.constant 0 : index
    %get3A_6 = arith.constant 0 : index
    %get3A_7 = memref.load %arg1[%get3A, %get3A_6] : memref<1x2048xi32, #tpu.memory_space<smem>>
    %jit3A = arith.constant 128 : i32
    %div3A = arith.divsi %get3A_7, %jit3A : i32
    %sign3A = arith.constant 0 : i32
    %sign3A_8 = arith.cmpi sgt, %get3A_7, %sign3A : i32
    %sign3A_9 = arith.extui %sign3A_8 : i1 to i32
    %sign3A_10 = arith.constant 0 : i32
    %sign3A_11 = arith.cmpi slt, %get3A_7, %sign3A_10 : i32
    %sign3A_12 = arith.extui %sign3A_11 : i1 to i32
    %sign3A_13 = arith.subi %sign3A_9, %sign3A_12 : i32
    %sign3A_14 = arith.constant 0 : i32
    %sign3A_15 = arith.cmpi sgt, %jit3A, %sign3A_14 : i32
    %sign3A_16 = arith.extui %sign3A_15 : i1 to i32
    %sign3A_17 = arith.constant 0 : i32
    %sign3A_18 = arith.cmpi slt, %jit3A, %sign3A_17 : i32
    %sign3A_19 = arith.extui %sign3A_18 : i1 to i32
    %sign3A_20 = arith.subi %sign3A_16, %sign3A_19 : i32
    %ne3A = arith.cmpi ne, %sign3A_13, %sign3A_20 : i32
    %rem3A = arith.remsi %get3A_7, %jit3A : i32
    %ne3A_21 = arith.constant 0 : i32
    %ne3A_22 = arith.cmpi ne, %rem3A, %ne3A_21 : i32
    %and3A = arith.andi %ne3A, %ne3A_22 : i1
    %sub3A_23 = arith.constant 1 : i32
    %sub3A_24 = arith.subi %div3A, %sub3A_23 : i32
    %select_n3A = arith.select %and3A, %sub3A_24, %div3A : i32
    %mul3A_25 = arith.constant 128 : i32
    %mul3A_26 = arith.muli %select_n3A, %mul3A_25 : i32
    %get3A_27 = arith.constant 0 : index
    %get3A_28 = arith.index_cast %min3A_5 : i32 to index
    %get3A_29 = memref.load %arg1[%get3A_27, %get3A_28] : memref<1x2048xi32, #tpu.memory_space<smem>>
    %sub3A_30 = arith.subi %get3A_29, %mul3A_26 : i32
    %jit3A_31 = arith.constant 128 : i32
    %div3A_32 = arith.divsi %sub3A_30, %jit3A_31 : i32
    %sign3A_33 = arith.constant 0 : i32
    %sign3A_34 = arith.cmpi sgt, %sub3A_30, %sign3A_33 : i32
    %sign3A_35 = arith.extui %sign3A_34 : i1 to i32
    %sign3A_36 = arith.constant 0 : i32
    %sign3A_37 = arith.cmpi slt, %sub3A_30, %sign3A_36 : i32
    %sign3A_38 = arith.extui %sign3A_37 : i1 to i32
    %sign3A_39 = arith.subi %sign3A_35, %sign3A_38 : i32
    %sign3A_40 = arith.constant 0 : i32
    %sign3A_41 = arith.cmpi sgt, %jit3A_31, %sign3A_40 : i32
    %sign3A_42 = arith.extui %sign3A_41 : i1 to i32
    %sign3A_43 = arith.constant 0 : i32
    %sign3A_44 = arith.cmpi slt, %jit3A_31, %sign3A_43 : i32
    %sign3A_45 = arith.extui %sign3A_44 : i1 to i32
    %sign3A_46 = arith.subi %sign3A_42, %sign3A_45 : i32
    %ne3A_47 = arith.cmpi ne, %sign3A_39, %sign3A_46 : i32
    %rem3A_48 = arith.remsi %sub3A_30, %jit3A_31 : i32
    %ne3A_49 = arith.constant 0 : i32
    %ne3A_50 = arith.cmpi ne, %rem3A_48, %ne3A_49 : i32
    %and3A_51 = arith.andi %ne3A_47, %ne3A_50 : i1
    %sub3A_52 = arith.constant 1 : i32
    %sub3A_53 = arith.subi %div3A_32, %sub3A_52 : i32
    %select_n3A_54 = arith.select %and3A_51, %sub3A_53, %div3A_32 : i32
    %add3A_55 = arith.constant 1 : i32
    %add3A_56 = arith.addi %select_n3A_54, %add3A_55 : i32
    %get3A_57 = arith.constant 0 : index
    %get3A_58 = arith.constant 0 : index
    %get3A_59 = vector.load %arg3[%get3A_57, %get3A_58] : memref<1x2048xi32, #tpu.memory_space<vmem>>, vector<1x2048xi32>
    %get3A_60 = vector.shape_cast %get3A_59 : vector<1x2048xi32> to vector<2048xi32>
    %broadcast_in_dim3A = vector.shape_cast %get3A_60 : vector<2048xi32> to vector<1x2048xi32>
    %iota3A = tpu.iota {dimensions = array<i32: 0>} : vector<2048x1xi32>
    %add3A_61 = vector.broadcast %add3A_3 : i32 to vector<2048x1xi32>
    %add3A_62 = arith.addi %add3A_61, %iota3A : vector<2048x1xi32>
    %lt3A = arith.constant 100000 : i32
    %lt3A_63 = vector.broadcast %lt3A : i32 to vector<2048x1xi32>
    %lt3A_64 = arith.cmpi slt, %add3A_62, %lt3A_63 : vector<2048x1xi32>
    %get3A_65 = arith.constant 0 : index
    %get3A_66 = arith.constant 0 : index
    %get3A_67 = vector.load %arg2[%get3A_65, %get3A_66] : memref<2048x128xf32, #tpu.memory_space<vmem>>, vector<2048x128xf32>
    %jit3A_68 = arith.constant 0.000000e+00 : f32
    %broadcast_in_dim3A_69 = vector.shape_cast %lt3A_64 : vector<2048x1xi1> to vector<2048x1xi1>
    %broadcast_in_dim3A_70 = vector.broadcast %broadcast_in_dim3A_69 : vector<2048x1xi1> to vector<2048x128xi1>
    %broadcast_in_dim3A_71 = vector.broadcast %jit3A_68 : f32 to vector<2048x128xf32>
    %select_n3A_72 = arith.select %broadcast_in_dim3A_70, %get3A_67, %broadcast_in_dim3A_71 : vector<2048x128xi1>, vector<2048x128xf32>
    %while3A = arith.constant 0 : i32
    %while3A_73 = arith.constant 0 : i32
    %while3A_74 = arith.subi %add3A_56, %while3A_73 : i32
    %while3A_75 = arith.addi %while3A_73, %while3A_74 : i32
    %while3A_76 = arith.constant 1 : i32
    %while3A_77 = arith.divsi %while3A_74, %while3A_76 : i32
    %while3A_78 = arith.muli %while3A_77, %while3A_76 : i32
    %while3A_79 = arith.addi %while3A_73, %while3A_78 : i32
    %while3A_80 = arith.constant 1 : i32
    scf.for %while3A_82 = %while3A_73 to %while3A_79 step %while3A_80  : i32 {
      %mul3A_83 = arith.constant 128 : i32
      %mul3A_84 = arith.muli %while3A_82, %mul3A_83 : i32
      %add3A_85 = arith.addi %mul3A_26, %mul3A_84 : i32
      %iota3A_86 = tpu.iota {dimensions = array<i32: 0>} : vector<128x2048xi32>
      %add3A_87 = vector.broadcast %add3A_85 : i32 to vector<128x2048xi32>
      %add3A_88 = arith.addi %add3A_87, %iota3A_86 : vector<128x2048xi32>
      %eq3A_89 = vector.broadcast %broadcast_in_dim3A : vector<1x2048xi32> to vector<128x2048xi32>
      %eq3A_90 = arith.cmpi eq, %add3A_88, %eq3A_89 : vector<128x2048xi32>
      %jit3A_91 = arith.constant 1.000000e+00 : f32
      %jit3A_92 = arith.constant 0.000000e+00 : f32
      %broadcast_in_dim3A_93 = vector.broadcast %jit3A_91 : f32 to vector<128x2048xf32>
      %broadcast_in_dim3A_94 = vector.broadcast %jit3A_92 : f32 to vector<128x2048xf32>
      %select_n3A_95 = arith.select %eq3A_90, %broadcast_in_dim3A_93, %broadcast_in_dim3A_94 : vector<128x2048xi1>, vector<128x2048xf32>
      %dot_general3A = arith.constant dense<0.000000e+00> : vector<128x128xf32>
      %dot_general3A_96 = tpu.matmul %select_n3A_95, %select_n3A_72, %dot_general3A {dimension_numbers = #tpu.dot_dimension_numbers<[1], [0], [0], [1], [0, 0, 1, 1], [], []>, transpose_lhs_hint = false} : vector<128x2048xf32>, vector<2048x128xf32>, vector<128x128xf32> -> vector<128x128xf32>
      %get3A_97 = arith.index_cast %add3A_85 : i32 to index
      %get3A_98 = arith.constant 0 : index
      %get3A_99 = vector.load %arg4[%get3A_97, %get3A_98] : memref<512x128xf32, #tpu.memory_space<vmem>>, vector<128x128xf32>
      %add3A_100 = arith.addf %get3A_99, %dot_general3A_96 : vector<128x128xf32>
      %swap3A = arith.index_cast %add3A_85 : i32 to index
      %swap3A_101 = arith.constant 0 : index
      %swap3A_102 = vector.load %arg4[%swap3A, %swap3A_101] : memref<512x128xf32, #tpu.memory_space<vmem>>, vector<128x128xf32>
      tpu.vector_store %arg4[%swap3A, %swap3A_101], %add3A_100 {strides = array<i32>} : memref<512x128xf32, #tpu.memory_space<vmem>>, vector<128x128xf32>,
    }
    %while3A_81 = arith.constant 1 : i32
    scf.for %while3A_82 = %while3A_79 to %while3A_75 step %while3A_81  : i32 {
      %mul3A_83 = arith.constant 128 : i32
      %mul3A_84 = arith.muli %while3A_82, %mul3A_83 : i32
      %add3A_85 = arith.addi %mul3A_26, %mul3A_84 : i32
      %iota3A_86 = tpu.iota {dimensions = array<i32: 0>} : vector<128x2048xi32>
      %add3A_87 = vector.broadcast %add3A_85 : i32 to vector<128x2048xi32>
      %add3A_88 = arith.addi %add3A_87, %iota3A_86 : vector<128x2048xi32>
      %eq3A_89 = vector.broadcast %broadcast_in_dim3A : vector<1x2048xi32> to vector<128x2048xi32>
      %eq3A_90 = arith.cmpi eq, %add3A_88, %eq3A_89 : vector<128x2048xi32>
      %jit3A_91 = arith.constant 1.000000e+00 : f32
      %jit3A_92 = arith.constant 0.000000e+00 : f32
      %broadcast_in_dim3A_93 = vector.broadcast %jit3A_91 : f32 to vector<128x2048xf32>
      %broadcast_in_dim3A_94 = vector.broadcast %jit3A_92 : f32 to vector<128x2048xf32>
      %select_n3A_95 = arith.select %eq3A_90, %broadcast_in_dim3A_93, %broadcast_in_dim3A_94 : vector<128x2048xi1>, vector<128x2048xf32>
      %dot_general3A = arith.constant dense<0.000000e+00> : vector<128x128xf32>
      %dot_general3A_96 = tpu.matmul %select_n3A_95, %select_n3A_72, %dot_general3A {dimension_numbers = #tpu.dot_dimension_numbers<[1], [0], [0], [1], [0, 0, 1, 1], [], []>, transpose_lhs_hint = false} : vector<128x2048xf32>, vector<2048x128xf32>, vector<128x128xf32> -> vector<128x128xf32>
      %get3A_97 = arith.index_cast %add3A_85 : i32 to index
      %get3A_98 = arith.constant 0 : index
      %get3A_99 = vector.load %arg4[%get3A_97, %get3A_98] : memref<512x128xf32, #tpu.memory_space<vmem>>, vector<128x128xf32>
      %add3A_100 = arith.addf %get3A_99, %dot_general3A_96 : vector<128x128xf32>
      %swap3A = arith.index_cast %add3A_85 : i32 to index
      %swap3A_101 = arith.constant 0 : index
      %swap3A_102 = vector.load %arg4[%swap3A, %swap3A_101] : memref<512x128xf32, #tpu.memory_space<vmem>>, vector<128x128xf32>
      tpu.vector_store %arg4[%swap3A, %swap3A_101], %add3A_100 {strides = array<i32>} : memref<512x128xf32, #tpu.memory_space<vmem>>, vector<128x128xf32>,
    }
    return
  }
  func.func @transform_0(%arg0: i32) -> (i32, i32) {
    %add3A = arith.constant 38 : i32
    %add3A_0 = arith.addi %add3A, %arg0 : i32
    %c0_i32 = arith.constant 0 : i32
    %c0_i32_1 = arith.constant 0 : i32
    return %c0_i32, %add3A_0 : i32, i32
  }
  func.func @transform_1(%arg0: i32) -> (i32, i32) {
    %add3A = arith.constant 38 : i32
    %add3A_0 = arith.addi %add3A, %arg0 : i32
    %c0_i32 = arith.constant 0 : i32
    %c0_i32_1 = arith.constant 0 : i32
    return %add3A_0, %c0_i32 : i32, i32
  }
  func.func @transform_2(%arg0: i32) -> (i32, i32) {
    %add3A = arith.constant 38 : i32
    %add3A_0 = arith.addi %add3A, %arg0 : i32
    %c0_i32 = arith.constant 0 : i32
    %c0_i32_1 = arith.constant 0 : i32
    return %c0_i32, %add3A_0 : i32, i32
  }
  func.func @transform_3(%arg0: i32) -> (i32, i32) {
    %c0_i32 = arith.constant 0 : i32
    %c0_i32_0 = arith.constant 0 : i32
    %c0_i32_1 = arith.constant 0 : i32
    return %c0_i32, %c0_i32_0 : i32, i32
  }
}

module attributes {stable_mosaic.version = 14 : i64} {
  func.func @body(%arg0: memref<2x512x128xf32, #tpu.memory_space<vmem>>, %arg1: memref<512x128xf32, #tpu.memory_space<vmem>>, %arg2: memref<512x128xf32, #tpu.memory_space<vmem>>) attributes {dimension_semantics = [], scalar_prefetch = 0 : i64, scratch_operands = 0 : i64, tpu.core_type = #tpu.core_type<tc>} {
    %get3A = arith.constant 0 : index
    %get3A_0 = arith.constant 0 : index
    %get3A_1 = arith.constant 0 : index
    %get3A_2 = vector.load %arg0[%get3A, %get3A_0, %get3A_1] : memref<2x512x128xf32, #tpu.memory_space<vmem>>, vector<1x512x128xf32>
    %get3A_3 = vector.shape_cast %get3A_2 : vector<1x512x128xf32> to vector<512x128xf32>
    %get3A_4 = arith.constant 1 : index
    %get3A_5 = arith.constant 0 : index
    %get3A_6 = arith.constant 0 : index
    %get3A_7 = vector.load %arg0[%get3A_4, %get3A_5, %get3A_6] : memref<2x512x128xf32, #tpu.memory_space<vmem>>, vector<1x512x128xf32>
    %get3A_8 = vector.shape_cast %get3A_7 : vector<1x512x128xf32> to vector<512x128xf32>
    %add3A = arith.addf %get3A_3, %get3A_8 : vector<512x128xf32>
    %get3A_9 = arith.constant 0 : index
    %get3A_10 = arith.constant 0 : index
    %get3A_11 = vector.load %arg1[%get3A_9, %get3A_10] : memref<512x128xf32, #tpu.memory_space<vmem>>, vector<512x128xf32>
    %add3A_12 = arith.addf %add3A, %get3A_11 : vector<512x128xf32>
    %swap3A = arith.constant 0 : index
    %swap3A_13 = arith.constant 0 : index
    %swap3A_14 = vector.load %arg2[%swap3A, %swap3A_13] : memref<512x128xf32, #tpu.memory_space<vmem>>, vector<512x128xf32>
    tpu.vector_store %arg2[%swap3A, %swap3A_13], %add3A_12 {strides = array<i32>} : memref<512x128xf32, #tpu.memory_space<vmem>>, vector<512x128xf32>,
    return
  }
}

</mosaic_0001>

<sc_bundles>
// kernel: kernel.5.cloned.1.call-start
scs
__scs_entry_jumppad:
0x0: {  	(pc) =	sbr.rel $0x88, $3  }
0x1: {  	(tag) =	ssettag $0x0;
	lr =	simm.s32 $0x1  }
0x2: {  	[smem:$0x3F9F] =	sst lr;
	_ =	strace $0xD0000000  }
0x3: {  	_ = 	snop  }
0x4: {  	_ = 	snop  }
0x5: {  	_ = 	snop  }
0x6: {  	_ = 	snop  }
0x7: {  	_ = 	snop  }
__scs_overlays_trampoline_lowered:
0x8: {  	[smem:$0x3FAE] =	sst s0  }
0x9: {  	[smem:$0x3FAF] =	sst s1  }
0xa: {  	[smem:$0x3FB0] =	sst s2  }
0xb: {  	[smem:$0x3FB1] =	sst s3  }
0xc: {  	[smem:$0x3FB2] =	sst s4  }
0xd: {  	[smem:$0x3FB3] =	sst s5  }
0xe: {  	[smem:$0x3FB4] =	sst s6  }
0xf: {  	[smem:$0x3FB5] =	sst s7  }
0x10: {  	[smem:$0x3FB6] =	sst s8  }
0x11: {  	[smem:$0x3FB7] =	sst s9;
	s0 =	simm.s32 @!p0 $0x0  }
0x12: {  	s1 =	sld [smem:$0x3F9D];
	s0 =	simm.s32 @p0 $0x1  }
0x13: {  	[smem:$0x3FB8] =	sst s0;
	s0 =	simm.s32 @!p1 $0x0  }
0x14: {  	s2 =	sld [smem:$0x3F9C];
	s0 =	simm.s32 @p1 $0x1  }
0x15: {  	[smem:$0x3FB9] =	sst s0;
	s0 =	simm.s32 @!p2 $0x0  }
0x16: {  	s3 =	sld [smem:$0x3FDB];
	s0 =	simm.s32 @p2 $0x1  }
0x17: {  	s4 =	simm.s32 $0x1BF5;
	[smem:$0x3FBB] =	sst s0  }
0x18: {  	s0 =	sld [smem:$0x3F9E];
	_ =	swait.ge [sflag:s4], $0x0  }
0x19: {  	s7 =	sld [smem:$0x3F9F]  }
0x1a: {  	s8 =	sadd.s32 $0xFFFFE003, lr  }
0x1b: {  	s9 =	sadd.s32 $0xFFFFFEF7, lr;
	s5 =	simm.s32 $0xFFFFFFFF;
	p2 =	slt.u32 s8, $0xFFFFF086  }
0x1c: {  	p1 =	slt.u32 s9, $0xF7A;
	s5 =	simm.s32 @!p2 $0x0  }
0x1d: {  	s5 =	simm.s32 @p1 $0x1;
	p0 =	seq.s32 s7, s2  }
0x1e: {  	s7 =	smul.u32 @!p0 $0xF7A, s2;
	p2 =	seq.s32 @!p0 s5, $0x0  }
0x1f: {  	s9 =	smul.u32 $0xF7A, s1;
	s8 =	simm.s32 @!p0 $0x1BF5;
	p2 =	por !p2, p0  }
0x20: {  	[sflag:s8] =	ssyncset.s32 @!p0 $0xFFFFF086;
	s6 =	sadd.s32 @!p0 s3, s7;
	s7 =	simm.s32 @!p0 $0x108  }
0x21: {  	s3 =	sadd.s32 s3, s9;
	s6 =	sadd.s32 @!p0 $0x88, s6;
	s7 =	simm.s32 @p2 $0x1082  }
0x22: {  	[simem:s7], [sflag:s8] =	dma.local @!p0 [hbm:s6], $0xF7A  }
0x23: {  	s9 =	sor.u32 $0xD0000000, s2;
	s6 =	simm.s32 $0x108;
	_ =	swait.ge @!p0 [sflag:s8], $0x0  }
0x24: {  	s3 =	sadd.s32 $0x88, s3;
	s6 =	simm.s32 @!p1 $0x1082;
	[sflag:s4] =	ssyncset.s32 $0xFFFFF086  }
0x25: {  	[simem:s6], [sflag:s4] =	dma.local [hbm:s3], $0xF7A  }
0x26: {  	[smem:$0x3F9F] =	sst s1;
	(tag) =	ssettag s2;
	_ =	strace s9  }
0x27: {  	s1 =	sld [smem:$0x3FAF]  }
0x28: {  	s2 =	sld [smem:$0x3FB0]  }
0x29: {  	s4 =	sld [smem:$0x3FB2]  }
0x2a: {  	p0 =	seq.s32 s5, $0x0;
	s5 =	sld [smem:$0x3FB3]  }
0x2b: {  	s6 =	sld [smem:$0x3FB4]  }
0x2c: {  	s7 =	sld [smem:$0x3FB5]  }
0x2d: {  	s3 =	simm.s32 $0x108;
	s8 =	sld [smem:$0x3FB6]  }
0x2e: {  	s3 =	simm.s32 @!p0 $0x1082;
	s9 =	sld [smem:$0x3FB7]  }
0x2f: {  	lr =	sadd.s32 s0, s3;
	s0 =	sld [smem:$0x3FAE]  }
0x30: {  	s3 =	sld [smem:$0x3FB1]  }
0x31: {  	[smem:$0x3FBA] =	sst s10  }
0x32: {  	s10 =	sld [smem:$0x3FB8];
	_ =	sdelay $0x3  }
0x33: {  	p0 =	seq.s32 s10, $0x1;
	s10 =	sld [smem:$0x3FBA];
	_ =	sdelay $0x3  }
0x34: {  	[smem:$0x3FBA] =	sst s10  }
0x35: {  	s10 =	sld [smem:$0x3FB9];
	_ =	sdelay $0x3  }
0x36: {  	p1 =	seq.s32 s10, $0x1;
	s10 =	sld [smem:$0x3FBA];
	_ =	sdelay $0x3  }
0x37: {  	[smem:$0x3FBA] =	sst s10  }
0x38: {  	s10 =	sld [smem:$0x3FBB]  }
0x39: {  	_ = 	snop;
	(pc) =	sbr.ind lr, $3  }
0x3a: {  	_ = 	snop  }
0x3b: {  	_ = 	snop  }
0x3c: {  	p2 =	seq.s32 s10, $0x1;
	s10 =	sld [smem:$0x3FBA]  }
0x3d: {  	_ =	shalt  }
0x3e: {  	_ =	shalt  }
0x3f: {  	_ =	shalt  }
0x40: {  	_ =	shalt  }
0x41: {  	_ =	shalt  }
0x42: {  	_ =	shalt  }
0x43: {  	_ =	shalt  }
0x44: {  	_ =	shalt  }
0x45: {  	_ =	shalt  }
0x46: {  	_ =	shalt  }
0x47: {  	_ =	shalt  }
0x48: {  	_ =	shalt  }
0x49: {  	_ =	shalt  }
0x4a: {  	_ =	shalt  }
0x4b: {  	_ =	shalt  }
0x4c: {  	_ =	shalt  }
0x4d: {  	_ =	shalt  }
0x4e: {  	_ =	shalt  }
0x4f: {  	_ =	shalt  }
0x50: {  	_ =	shalt  }
0x51: {  	_ =	shalt  }
0x52: {  	_ =	shalt  }
0x53: {  	_ =	shalt  }
0x54: {  	_ =	shalt  }
0x55: {  	_ =	shalt  }
0x56: {  	_ =	shalt  }
0x57: {  	_ =	shalt  }
0x58: {  	_ =	shalt  }
0x59: {  	_ =	shalt  }
0x5a: {  	_ =	shalt  }
0x5b: {  	_ =	shalt  }
0x5c: {  	_ =	shalt  }
0x5d: {  	_ =	shalt  }
0x5e: {  	_ =	shalt  }
0x5f: {  	_ =	shalt  }
0x60: {  	_ =	shalt  }
0x61: {  	_ =	shalt  }
0x62: {  	_ =	shalt  }
0x63: {  	_ =	shalt  }
0x64: {  	_ =	shalt  }
0x65: {  	_ =	shalt  }
0x66: {  	_ =	shalt  }
0x67: {  	_ =	shalt  }
0x68: {  	_ =	shalt  }
0x69: {  	_ =	shalt  }
0x6a: {  	_ =	shalt  }
0x6b: {  	_ =	shalt  }
0x6c: {  	_ =	shalt  }
0x6d: {  	_ =	shalt  }
0x6e: {  	_ =	shalt  }
0x6f: {  	_ =	shalt  }
0x70: {  	_ =	shalt  }
0x71: {  	_ =	shalt  }
0x72: {  	_ =	shalt  }
0x73: {  	_ =	shalt  }
0x74: {  	_ =	shalt  }
0x75: {  	_ =	shalt  }
0x76: {  	_ =	shalt  }
0x77: {  	_ =	shalt  }
0x78: {  	_ =	shalt  }
0x79: {  	_ =	shalt  }
0x7a: {  	_ =	shalt  }
0x7b: {  	_ =	shalt  }
0x7c: {  	_ =	shalt  }
0x7d: {  	_ =	shalt  }
0x7e: {  	_ =	shalt  }
0x7f: {  	_ =	shalt  }
0x80: {  	_ =	shalt  }
0x81: {  	_ =	shalt  }
0x82: {  	_ =	shalt  }
0x83: {  	_ =	shalt  }
0x84: {  	_ =	shalt  }
0x85: {  	_ =	shalt  }
0x86: {  	_ =	shalt  }
0x87: {  	_ =	shalt  }
.Lfunc_end0:
.L_simem_size_0:
called_computation_lowered:
.L_overlay_start_0:
0x88: {  	s2 =	sld [smem:$0x3FD9]  }
0x89: {  	s3 =	sld [smem:$0x3FFE];
	_ =	sdelay $0x1  }
0x8a: {  	s1 =	srdreg.scid  }
0x8b: {  	s0 =	sand.u32 $0x1, s1  }
0x8c: {  	s17 =	sshll.u32 s0, $0xA;
	s2 =	sadd.s32 s3, s2  }
0x8d: {  	s2 =	sadd.s32 s2, s17  }
0x8e: {  	[smem:$0x3FC6] =	sst s2  }
0x8f: {  	_ = 	snop  }
0x90: {  	s2 =	sld [smem:$0x3FC9]  }
0x91: {  	s18 =	sld [smem:$0x3FC8]  }
0x92: {  	s4 =	sld [smem:$0x3FD0];
	(tm) =	ssettm $0x1  }
0x93: {  	s5 =	sld [smem:$0x3FFB];
	_ =	sdelay $0x3  }
0x94: {  	_ =	strace s5  }
0x95: {  	s5 =	sld [smem:$0x3FFC];
	_ =	sdelay $0x3  }
0x96: {  	_ =	strace s5  }
0x97: {  	s5 =	sld [smem:$0x3FFD];
	_ =	sdelay $0x3  }
0x98: {  	_ =	strace s5  }
0x99: {  	_ =	strace $0x8FFFFFFF  }
0x9a: {  	s19 =	sld [smem:$0x3FDB];
	_ =	sdelay $0x1  }
0x9b: {  	s6 =	simm.s32 $_scs_section_size  }
0x9c: {  	s7 =	simm.s32 $_size__tile_overlayer_lowered;
	s8 =	simm.s32 $_tile_overlayer_lowered  }
0x9d: {  	s22 =	simm.s32 $0x1BFF;
	s21 =	sshll.u32 s8, $0x1;
	s5 =	sadd.s32 s6, s19  }
0x9e: {  	s9 =	simm.s32 $0x0;
	s20 =	sshll.u32 s7, $0x1;
	s7 =	sadd.s32 s21, s5  }
0x9f: {  	[timem:s9], [sflag:s22] =	dma.local [hbm:s7], s20  }
0xa0: {  	_ =	swait.ge [sflag:s22], s20  }
0xa1: {  	s6 =	ssub.s32 $0x0, s20;
	[sflag:s22] =	ssyncset.done $0x0  }
0xa2: {  	[sflag:s22] =	ssyncadd.s32 s6;
	_ =	sdelay $0x1  }
0xa3: {  	s23 =	simm.s32 $0x1B8B  }
0xa4: {  	_ =	swait.ge [sflag:s23], $0x1  }
0xa5: {  	[sflag:s23] =	ssyncset.done $0x0  }
0xa6: {  	s25 =	simm.s32 $0x1B8E;
	s24 =	sld [smem:$0x3FFE];
	[sflag:s23] =	ssyncadd.s32 $0xFFFFFFFF  }
0xa7: {  	s26 =	simm.s32 $execute0_lowered;
	[smem:$0x3FD2] =	sst s25  }
0xa8: {  	s7 =	sshll.u32 s26, $0x1;
	_ =	strace $0x80000046;
	[dreg:$0x1] =	wrdreg $0xFFFFFFFF  }
0xa9: {  	s28 =	simm.s32 $_size_execute0_lowered;
	s5 =	sadd.s32 s5, s7;
	[dreg:$0x0] =	wrdreg $0x0  }
0xaa: {  	s7 =	sshll.u32 s28, $0x1;
	[dreg:$0x2] =	wrdreg s5  }
0xab: {  	[dreg:$0x3] =	wrdreg s7  }
0xac: {  	[dreg:$0x4] =	wrdreg $0xC0  }
0xad: {  	_ =	task [dreg:s9], $0x5FFFF  }
0xae: {  	[dreg:$0x1] =	wrdreg $0xFFFFFFFF  }
0xaf: {  	[dreg:$0x0] =	wrdreg $0x60  }
0xb0: {  	[dreg:$0x2] =	wrdreg s2  }
0xb1: {  	[dreg:$0x3] =	wrdreg s18  }
0xb2: {  	[dreg:$0x4] =	wrdreg s4  }
0xb3: {  	[dreg:$0x5] =	wrdreg s24  }
0xb4: {  	[dreg:$0x6] =	wrdreg $0xC2000  }
0xb5: {  	[dreg:$0x7] =	wrdreg $0x9  }
0xb6: {  	_ =	task.clear_ibuf [dreg:s9], $0x8FFFF;
	_ =	strace $0x90000046  }
0xb7: {  	s29 =	simm.s32 $0x9;
	_ =	strace $0x80000048  }
0xb8: {  	_ =	swait.ge [sflag:s29], $0x1  }
0xb9: {  	[sflag:s29] =	ssyncadd.s32 $0xFFFFFFFF  }
0xba: {  	_ =	strace $0x90000048  }
0xbb: {  	_ =	sfence  }
0xbc: {  	s30 =	sld [smem:$0x0];
	_ =	sdelay $0x2  }
0xbd: {  	s31 =	sshll.u32 s1, $0xD;
	s1 =	sshrl.u32 s1, $0x2  }
0xbe: {  	s3 =	sand.u32 $0x4000, s31;
	s1 =	sadd.s32 s1, s30  }
0xbf: {  	s0 =	sor.u32 s3, s0;
	s1 =	sshll.u32 s1, $0x11  }
0xc0: {  	s0 =	sor.u32 s1, s0  }
0xc1: {  	s0 =	sadd.s32 $0x8F2B, s0  }
0xc2: {  	[sflag:s0] =	ssyncadd.remote.s32 $0x1  }
0xc3: {  	_ =	sfence.sel $0xFFFF  }
0xc4: {  	[dreg:$0x0] =	wrdreg $0xFFFFFFFF;
	(pc) =	sbr.abs _section_cstart, $3  }
0xc5: {  	[dreg:$0x1] =	wrdreg $0xFFFFFFFF  }
0xc6: {  	_ =	task.clear_ibuf [dreg:s9], $0x2FFFF;
	_ =	strace $0x9FFFFFFF  }
0xc7: {  	(tm) =	ssettm $0x7FFFFFFF  }
tec
execute0_lowered:
.L_overlay_start_1:
0x0: {  	(tag) =	ssettag $0x1  }
0x1: {  	s14 =	rddreg [dreg:$0x0]  }
0x2: {  	s15 =	rddreg [dreg:$0x1]  }
0x3: {  	s10 =	rddreg [dreg:$0x2]  }
0x4: {  	s4 =	rddreg [dreg:$0x3]  }
0x5: {  	s1 =	rddreg [dreg:$0x4]  }
0x6: {  	s2 =	simm.s32 $0x0;
	s3 =	srdreg.scid;
	s0 =	stileid.u32  }
0x7: {  	s19 =	simm.s32 $0xC100;
	s20 =	simm.s32 $0x8000;
	s22 =	simm.s32 $0x4  }
0x8: {  	[smem:$0x7FF] =	sst s2;
	s16 =	sand.u32 $0x1, s3;
	s11 =	sshll.u32 s0, $0x9  }
0x9: {  	s17 =	sshll.u32 s0, $0xC;
	s28 =	sshll.u32 s0, $0x6;
	s30 =	sshll.u32 s0, $0x4  }
0xa: {  	s31 =	sshll.u32 s0, $0xB;
	_ =	strace $0x80000047;
	s5 =	ssub.s32 $0x2, s16  }
0xb: {  	s7 =	sshll.u32 s16, $0x4;
	s12 =	sadd.s32 s11, s4;
	s21 =	sadd.s32 s17, s1  }
0xc: {  	s18 =	sshll.u32 s16, $0xD;
	s10 =	sadd.s32 s10, s11;
	s11 =	sor.u32 $0x1C04, s28  }
0xd: {  	s29 =	sshll.u32 s16, $0x8;
	s16 =	sshll.u32 s16, $0xF;
	s6 =	sshrl.u32 s5, $0x1  }
0xe: {  	s7 =	sor.u32 s0, s7;
	s12 =	sadd.s32 s18, s12;
	s18 =	simm.s32 $0x4000  }
0xf: {  	s21 =	sshrl.u32 s21, $0x3;
	s13 =	ssub.s32 s5, s6;
	s23 =	sshll.u32 s7, $0x4  }
0x10: {  	s24 =	sshll.u32 s7, $0xB;
	s8 =	sor.u32 $0x20, s7;
	s9 =	sor.u32 $0x40, s7  }
0x11: {  	s12 =	sadd.s32 $0x800, s12;
	s4 =	sadd.s32 s15, s23;
	s5 =	sadd.s32 s14, s24  }
0x12: {  	s25 =	sshll.u32 s8, $0x4;
	s8 =	sshll.u32 s8, $0xB;
	s26 =	sshll.u32 s9, $0x4  }
0x13: {  	s9 =	sshll.u32 s9, $0xB;
	s13 =	smax.u32 s13, $0x1;
	s23 =	simm.s32 $0x1  }
0x14: {  	s24 =	simm.s32 $0x80;
	s6 =	sadd.s32 s15, s25;
	s7 =	sadd.s32 s14, s8  }
0x15: {  	s8 =	sadd.s32 s15, s26;
	s9 =	sadd.s32 s14, s9;
	s15 =	sadd.s32 s29, s15  }
0x16: {  	s14 =	sadd.s32 s16, s14;
	s16 =	simm.s32 $0xC000;
	s15 =	sadd.s32 s30, s15  }
0x17: {  	s25 =	simm.s32 $0x0;
	s14 =	sadd.s32 s31, s14;
	s15 =	sadd.s32 $0xA00, s15  }
.LBB2_1:
0x18: {  	[tilespmem:s16], [sflag:$0x1] =	stream.linear.gather [hbm4b:s4+s2], $0x80, $0x38;
	[tilespmem:$0xD200] =	vst v63  }
0x19: {  	_ = 	snop  }
0x1a: {  	[tilespmem:s2], [sflag:$0x1] =	stream.linear.gather [hbm4b:s5+s2], $0x4000, $0x38;
	[tilespmem:$0xD200] =	vst v63  }
0x1b: {  	s0 =	simm.s32 $0xC080  }
0x1c: {  	[tilespmem:s0], [sflag:$0x2] =	stream.linear.gather [hbm4b:s6+s2], $0x80, $0x38;
	[tilespmem:$0xD200] =	vst v63  }
0x1d: {  	_ = 	snop  }
0x1e: {  	[tilespmem:s18], [sflag:$0x2] =	stream.linear.gather [hbm4b:s7+s2], $0x4000, $0x38;
	[tilespmem:$0xD200] =	vst v63  }
0x1f: {  	_ = 	snop  }
0x20: {  	[tilespmem:s19], [sflag:$0x3] =	stream.linear.gather [hbm4b:s8+s2], $0x80, $0x38;
	[tilespmem:$0xD200] =	vst v63  }
0x21: {  	_ = 	snop  }
0x22: {  	[tilespmem:s20], [sflag:$0x3] =	stream.linear.gather [hbm4b:s9+s2], $0x4000, $0x38;
	[tilespmem:$0xD200] =	vst v63  }
0x23: {  	[spmem:s21], [sflag:s11] =	dma.local [hbm:s10], $0x200  }
0x24: {  	_ =	swait.ge [sflag:s22], $0x200  }
0x25: {  	[sflag:s22] =	ssyncset.done $0x0  }
0x26: {  	s26 =	smov.u32 s15;
	[sflag:s22] =	ssyncadd.s32 $0xFFFFFE00  }
0x27: {  	s28 =	simm.s32 $0x0;
	s29 =	simm.s32 $0x0;
	[bflag:$0x0] =	sbarrier.arrive $0xFFFF  }
.LBB2_2:
0x28: {  	_ =	swait.ge [sflag:s23], $0x80  }
0x29: {  	[sflag:s23] =	ssyncset.done $0x0  }
0x2a: {  	[sflag:s23] =	ssyncadd.s32 $0xFFFFFF80  }
0x2b: {  	_ =	swait.ge [sflag:s23], $0x4000  }
0x2c: {  	[sflag:s23] =	ssyncset.done $0x0  }
0x2d: {  	[sflag:s23] =	ssyncadd.s32 $0xFFFFC000  }
0x2e: {  	[spmem:s1] =	stream.indirect.scatter.add.f32 [tilespmem:s2], [sflag:$0x4], $0x80, s16, s24, $0xb8;
	[tilespmem:$0xD200] =	vst v63  }
0x2f: {  	p0 =	seq.s32 s28, $0x120000;
	_ =	swait.ge [sflag:s22], $0x4000  }
0x30: {  	s30 =	sadd.s32 @!p0 $0xFFFFFC00, s26;
	[sflag:s22] =	ssyncset.done $0x0  }
0x31: {  	s31 =	simm.s32 @!p0 $0x0;
	s0 =	simm.s32 @!p0 $0xC000;
	[sflag:s22] =	ssyncadd.s32 $0xFFFFC000  }
0x32: {  	[tilespmem:s0], [sflag:$0x1] =	stream.linear.gather @!p0 [hbm4b:s30+s31], $0x80, $0x38;
	[tilespmem:$0xD200] =	vst v63  }
0x33: {  	s0 =	sadd.s32 @!p0 s28, s14  }
0x34: {  	s0 =	sadd.s32 @!p0 $0x30000, s0  }
0x35: {  	[tilespmem:s31], [sflag:$0x1] =	stream.linear.gather @!p0 [hbm4b:s0+s31], $0x4000, $0x38;
	[tilespmem:$0xD200] =	vst v63  }
0x36: {  	s0 =	simm.s32 @!p0 $0x2  }
0x37: {  	_ =	swait.ge @!p0 [sflag:s0], $0x80  }
0x38: {  	[sflag:s0] =	ssyncset.done @!p0 $0x0  }
0x39: {  	[sflag:s0] =	ssyncadd.s32 @!p0 $0xFFFFFF80  }
0x3a: {  	_ =	swait.ge @!p0 [sflag:s0], $0x4000  }
0x3b: {  	s30 =	simm.s32 @!p0 $0xC080;
	[sflag:s0] =	ssyncset.done @!p0 $0x0  }
0x3c: {  	s31 =	simm.s32 @!p0 $0x4000;
	[sflag:s0] =	ssyncadd.s32 @!p0 $0xFFFFC000;
	s0 =	simm.s32 @!p0 $0x80  }
0x3d: {  	[spmem:s1] =	stream.indirect.scatter.add.f32 @!p0 [tilespmem:s31], [sflag:$0x4], $0x80, s30, s0, $0xb8;
	[tilespmem:$0xD200] =	vst v63  }
0x3e: {  	s0 =	simm.s32 @!p0 $0x4  }
0x3f: {  	p1 =	sgt.u32 @!p0 s29, $0x4;
	_ =	swait.ge @!p0 [sflag:s0], $0x4000  }
0x40: {  	p2 =	por !p1, p0;
	[sflag:s0] =	ssyncset.done @!p0 $0x0  }
0x41: {  	[sflag:s0] =	ssyncadd.s32 @!p0 $0xFFFFC000;
	s0 =	simm.s32 @!p2 $0x3  }
0x42: {  	_ =	swait.ge @!p2 [sflag:s0], $0x80  }
0x43: {  	[sflag:s0] =	ssyncset.done @!p2 $0x0  }
0x44: {  	[sflag:s0] =	ssyncadd.s32 @!p2 $0xFFFFFF80  }
0x45: {  	_ =	swait.ge @!p2 [sflag:s0], $0x4000  }
0x46: {  	s30 =	simm.s32 @!p2 $0xC100;
	[sflag:s0] =	ssyncset.done @!p2 $0x0  }
0x47: {  	s31 =	simm.s32 @!p2 $0x8000;
	[sflag:s0] =	ssyncadd.s32 @!p2 $0xFFFFC000;
	s0 =	simm.s32 @!p2 $0x80  }
0x48: {  	[spmem:s1] =	stream.indirect.scatter.add.f32 @!p2 [tilespmem:s31], [sflag:$0x4], $0x80, s30, s0, $0xb8;
	[tilespmem:$0xD200] =	vst v63  }
0x49: {  	s0 =	simm.s32 @!p2 $0x4  }
0x4a: {  	p1 =	por p1, p0;
	_ =	swait.ge @!p2 [sflag:s0], $0x4000  }
0x4b: {  	s30 =	simm.s32 @!p1 $0x0;
	[sflag:s0] =	ssyncset.done @!p2 $0x0  }
0x4c: {  	s31 =	simm.s32 @!p1 $0xC080;
	[sflag:s0] =	ssyncadd.s32 @!p2 $0xFFFFC000;
	s0 =	sadd.s32 @!p1 $0xFFFFFE00, s26  }
0x4d: {  	[tilespmem:s31], [sflag:$0x2] =	stream.linear.gather @!p1 [hbm4b:s0+s30], $0x80, $0x38;
	[tilespmem:$0xD200] =	vst v63  }
0x4e: {  	s0 =	sadd.s32 @!p1 s28, s14  }
0x4f: {  	s3 =	simm.s32 @!p1 $0x4000;
	s31 =	sadd.s32 @!p1 $0x40000, s0  }
0x50: {  	[tilespmem:s3], [sflag:$0x2] =	stream.linear.gather @!p1 [hbm4b:s31+s30], $0x4000, $0x38;
	[tilespmem:$0xD200] =	vst v63  }
0x51: {  	s3 =	simm.s32 @!p1 $0x3  }
0x52: {  	_ =	swait.ge @!p1 [sflag:s3], $0x80  }
0x53: {  	[sflag:s3] =	ssyncset.done @!p1 $0x0  }
0x54: {  	[sflag:s3] =	ssyncadd.s32 @!p1 $0xFFFFFF80  }
0x55: {  	_ =	swait.ge @!p1 [sflag:s3], $0x4000  }
0x56: {  	s17 =	simm.s32 @!p1 $0x8000;
	[sflag:s3] =	ssyncset.done @!p1 $0x0  }
0x57: {  	s31 =	simm.s32 @!p1 $0xC100;
	[sflag:s3] =	ssyncadd.s32 @!p1 $0xFFFFC000;
	s3 =	simm.s32 @!p1 $0x80  }
0x58: {  	[spmem:s1] =	stream.indirect.scatter.add.f32 @!p1 [tilespmem:s17], [sflag:$0x4], $0x80, s31, s3, $0xb8;
	[tilespmem:$0xD200] =	vst v63  }
0x59: {  	s3 =	simm.s32 @!p1 $0x4  }
0x5a: {  	_ =	swait.ge @!p1 [sflag:s3], $0x4000  }
0x5b: {  	[sflag:s3] =	ssyncset.done @!p1 $0x0  }
0x5c: {  	[sflag:s3] =	ssyncadd.s32 @!p1 $0xFFFFC000  }
0x5d: {  	[tilespmem:s31], [sflag:$0x3] =	stream.linear.gather @!p1 [hbm4b:s26+s30], $0x80, $0x38;
	[tilespmem:$0xD200] =	vst v63  }
0x5e: {  	s28 =	sadd.s32 @!p0 $0x30000, s28;
	s0 =	sadd.s32 @!p1 $0x50000, s0  }
0x5f: {  	[tilespmem:s17], [sflag:$0x3] =	stream.linear.gather @!p1 [hbm4b:s0+s30], $0x4000, $0x38;
	[tilespmem:$0xD200] =	vst v63  }
0x60: {  	p1 =	sne.s32 @!p0 s28, $0x150000  }
0x61: {  	p1 =	por p0, !p1  }
.Ltmp0:
0x62: {  	_ = 	snop;
	(pc) =	sbr.rel @!p1 .LBB2_2-.Ltmp0, $2  }
0x63: {  	_ =	sdelay $0x2  }
0x64: {  	s29 =	sadd.s32 @!p0 $0x1, s29;
	s26 =	sadd.s32 @!p0 $0x600, s26  }
0x65: {  	s25 =	sadd.s32 $0x1, s25  }
0x66: {  	p0 =	sne.s32 s25, s13  }
.Ltmp1:
0x67: {  	[bflag:$0x0] =	sbarrier.arrive $0xFFFF;
	(pc) =	sbr.rel @p0 .LBB2_1-.Ltmp1, $4  }
0x68: {  	[hbm:s12], [sflag:s11] =	dma.local [spmem:s21], $0x200  }
0x69: {  	_ =	swait.ge [sflag:s22], $0x200  }
0x6a: {  	[sflag:s22] =	ssyncset.done $0x0  }
0x6b: {  	[sflag:s22] =	ssyncadd.s32 $0xFFFFFE00  }
0x6c: {  	_ =	sfence.sel $0x180000  }
0x6d: {  	[bflag:$0x0] =	sbarrier.arrive $0xFFFF  }
0x6e: {  	_ =	strace $0x90000047  }
0x6f: {  	s0 =	stileid.u32;
	[bflag:$0x2] =	sbarrier.arrive $0xFFFF  }
0x70: {  	p0 =	sne.s32 s0, $0x0;
	s0 =	rddreg [dreg:$0x5]  }
0x71: {  	s0 =	sadd.s32 @!p0 $0x100000, s0  }
0x72: {  	[sflag:s0] =	ssyncadd.tile.s32 @!p0 $0x1;
	_ =	shalt  }
.Lfunc_end2:
_tile_overlayer_lowered:
.L_overlay_start_2:
0x73: {  	(tag) =	ssettag $0x2  }
0x74: {  	s0 =	rddreg [dreg:$0x0];
	s2 =	stileid.u32  }
0x75: {  	s1 =	rddreg [dreg:$0x1];
	p0 =	sne.s32 s2, $0x0  }
0x76: {  	s3 =	rddreg [dreg:$0x2];
	[bflag:$0x3] =	sbarrier.arrive $0xFFFF;
	s2 =	simm.s32 @!p0 $0x1C04  }
0x77: {  	[timem:s3], [sflag:s2] =	dma.local @!p0 [hbm:s0], s1  }
0x78: {  	s0 =	simm.s32 @!p0 $0x4  }
0x79: {  	_ =	swait.ge @!p0 [sflag:s0], s1  }
0x7a: {  	s1 =	ssub.s32 @!p0 $0x0, s1;
	[sflag:s0] =	ssyncset.done @!p0 $0x0  }
0x7b: {  	[sflag:s0] =	ssyncadd.s32 @!p0 s1  }
0x7c: {  	[bflag:$0x3] =	sbarrier.arrive $0xFFFF  }
0x7d: {  	_ =	shalt  }

</sc_bundles>
